<compile_context>
chip_gen: v7x
topology: tpu7x:2x2x1
jax: 0.10.2.dev20260603
libtpu: 0.0.44.dev20260713+nightly
codegen_flags: <defaults>
</compile_context>

<pallas_src>
import functools

import jax
import jax.numpy as jnp
from jax import lax
from jax.experimental import pallas as pl
from jax.experimental.pallas import tpu as pltpu
from jax.experimental.pallas import tpu_sc as plsc

D_MODEL = 1024
N_EXP = 8
TOP_K = 2
D_INT = 2048
T = 2048
BM = 576
NB = -(-(T * TOP_K) // BM) + N_EXP
NPAD = NB * BM
NBE = 64

NC = 2
NS = 16
NW = NC * NS
TPW = T // NW
CHUNK = 64


def _router_body(x_ref, rw_ref, d0_ref, d1_ref, w0_ref, w1_ref,
                 bexp_ref, nact_ref):
    x = x_ref[...]
    rw = rw_ref[...]
    logits = lax.dot_general(x, rw, (((1,), (1,)), ((), ())),
                             preferred_element_type=jnp.float32)
    eiota = lax.broadcasted_iota(jnp.int32, (T, N_EXP), 1)
    m1 = jnp.max(logits, axis=1, keepdims=True)
    a1 = jnp.min(jnp.where(logits == m1, eiota, N_EXP), axis=1, keepdims=True)
    masked = jnp.where(eiota == a1, -jnp.inf, logits)
    m2 = jnp.max(masked, axis=1, keepdims=True)
    a2 = jnp.min(jnp.where(masked == m2, eiota, N_EXP), axis=1, keepdims=True)
    e2 = jnp.exp(m2 - m1)
    w1 = 1.0 / (1.0 + e2)
    w2 = e2 / (1.0 + e2)
    w0_ref[...] = w1
    w1_ref[...] = w2

    oh1 = (eiota == a1).astype(jnp.float32)
    oh2 = (eiota == a2).astype(jnp.float32)
    CB = 512
    ri = lax.broadcasted_iota(jnp.int32, (CB, CB), 0)
    ci = lax.broadcasted_iota(jnp.int32, (CB, CB), 1)
    tris = (ri > ci).astype(jnp.float32)

    def running(oh, carry0):
        parts = []
        carry = carry0
        for b in range(T // CB):
            blk = oh[b * CB:(b + 1) * CB]
            rb = lax.dot_general(tris, blk, (((1,), (0,)), ((), ())),
                                 preferred_element_type=jnp.float32) + carry
            parts.append(rb)
            carry = carry + jnp.sum(blk, axis=0, keepdims=True)
        return jnp.concatenate(parts, axis=0), carry

    r1, c1 = running(oh1, jnp.zeros((1, N_EXP), jnp.float32))
    r2, counts = running(oh2, c1)

    ci32 = counts.astype(jnp.int32)
    pc = ((ci32 + (BM - 1)) // BM) * BM
    nblks = pc // BM
    ei = lax.broadcasted_iota(jnp.int32, (N_EXP, N_EXP), 0)
    ej = lax.broadcasted_iota(jnp.int32, (N_EXP, N_EXP), 1)
    trisu = (ei < ej).astype(jnp.float32)
    off = lax.dot_general(pc.astype(jnp.float32), trisu,
                          (((1,), (0,)), ((), ())),
                          preferred_element_type=jnp.float32)
    d0f = jnp.sum(oh1 * (r1 + off), axis=1, keepdims=True)
    d1f = jnp.sum(oh2 * (r2 + off), axis=1, keepdims=True)
    d0_ref[...] = d0f.astype(jnp.int32)
    d1_ref[...] = d1f.astype(jnp.int32)

    blkstart = lax.dot_general(nblks.astype(jnp.float32), trisu,
                               (((1,), (0,)), ((), ())),
                               preferred_element_type=jnp.float32)
    brow = lax.broadcasted_iota(jnp.int32, (N_EXP, NBE), 1)
    ge = (brow >= blkstart.astype(jnp.int32).reshape(N_EXP, 1)).astype(jnp.int32)
    bexp_ref[...] = jnp.sum(ge, axis=0, keepdims=True) - 1
    nact_ref[...] = jnp.sum(nblks).reshape(1, 1)


def _router_call(xf, router_w):
    return pl.pallas_call(
        _router_body,
        out_shape=[
            jax.ShapeDtypeStruct((T, 1), jnp.int32),
            jax.ShapeDtypeStruct((T, 1), jnp.int32),
            jax.ShapeDtypeStruct((T, 1), jnp.float32),
            jax.ShapeDtypeStruct((T, 1), jnp.float32),
            jax.ShapeDtypeStruct((1, NBE), jnp.int32),
            jax.ShapeDtypeStruct((1, 1), jnp.int32),
        ],
    )(xf, router_w)


def _dispatch_body(x_hbm, d0_hbm, d1_hbm, xs_hbm, xbufs, idxs, sems):
    wid = lax.axis_index("s") * NC + lax.axis_index("c")
    base = wid * TPW
    nch = TPW // CHUNK
    pends = []
    for c in range(nch):
        tbase = base + c * CHUNK
        pltpu.sync_copy(x_hbm.at[pl.ds(tbase, CHUNK)], xbufs[c])
        pltpu.sync_copy(d0_hbm.at[pl.ds(tbase, CHUNK)], idxs[2 * c])
        pltpu.sync_copy(d1_hbm.at[pl.ds(tbase, CHUNK)], idxs[2 * c + 1])
        pends.append(pltpu.async_copy(xbufs[c], xs_hbm.at[idxs[2 * c]],
                                      sems[2 * c]))
        pends.append(pltpu.async_copy(xbufs[c], xs_hbm.at[idxs[2 * c + 1]],
                                      sems[2 * c + 1]))
    for cp in pends:
        cp.wait()


@functools.cache
def _dispatch_kernel():
    nch = TPW // CHUNK
    return pl.kernel(
        _dispatch_body,
        mesh=plsc.VectorSubcoreMesh(core_axis_name="c", subcore_axis_name="s"),
        compiler_params=pltpu.CompilerParams(needs_layout_passes=False),
        out_type=jax.ShapeDtypeStruct((NPAD, D_MODEL), jnp.float32),
        scratch_types=[
            [pltpu.VMEM((CHUNK, D_MODEL), jnp.float32) for _ in range(nch)],
            [pltpu.VMEM((CHUNK,), jnp.int32) for _ in range(2 * nch)],
            [pltpu.SemaphoreType.DMA for _ in range(2 * nch)],
        ],
    )


def _mlp_body(bexp_ref, nact_ref, xs_ref, wi_ref, wo_ref, out_ref):
    b = pl.program_id(0)

    @pl.when(b < nact_ref[0])
    def _():
        xb = xs_ref[...]
        h = lax.dot_general(xb, wi_ref[0], (((1,), (1,)), ((), ())),
                            preferred_element_type=jnp.float32)
        h = h * (1.0 / (1.0 + jnp.exp(-h)))
        y = lax.dot_general(h, wo_ref[0], (((1,), (1,)), ((), ())),
                            preferred_element_type=jnp.float32)
        out_ref[...] = y


def _mlp_call(bexp, nact, xs, expert_in, expert_out):
    grid_spec = pltpu.PrefetchScalarGridSpec(
        num_scalar_prefetch=2,
        grid=(NB,),
        in_specs=[
            pl.BlockSpec((BM, D_MODEL), lambda b, be, na: (b, 0)),
            pl.BlockSpec((1, D_INT, D_MODEL), lambda b, be, na: (be[b], 0, 0)),
            pl.BlockSpec((1, D_MODEL, D_INT), lambda b, be, na: (be[b], 0, 0)),
        ],
        out_specs=pl.BlockSpec((BM, D_MODEL), lambda b, be, na: (b, 0)),
    )
    return pl.pallas_call(
        _mlp_body,
        grid_spec=grid_spec,
        out_shape=jax.ShapeDtypeStruct((NPAD, D_MODEL), jnp.float32),
    )(bexp, nact, xs, expert_in, expert_out)


CCH = 16


def _combine_body(ys_hbm, d0_hbm, d1_hbm, w0_hbm, w1_hbm, out_hbm,
                  bufs, idxs, wv0, wv1, sems):
    wid = lax.axis_index("s") * NC + lax.axis_index("c")
    base = wid * TPW
    nch = TPW // CCH

    pltpu.sync_copy(w0_hbm.at[pl.ds(base, TPW)], wv0)
    pltpu.sync_copy(w1_hbm.at[pl.ds(base, TPW)], wv1)

    def fire(c, sel):
        tbase = base + c * CCH
        pltpu.sync_copy(d0_hbm.at[pl.ds(tbase, CCH)], idxs[2 * sel])
        pltpu.sync_copy(d1_hbm.at[pl.ds(tbase, CCH)], idxs[2 * sel + 1])
        cp0 = pltpu.async_copy(ys_hbm.at[idxs[2 * sel]], bufs[2 * sel],
                               sems[2 * sel])
        cp1 = pltpu.async_copy(ys_hbm.at[idxs[2 * sel + 1]], bufs[2 * sel + 1],
                               sems[2 * sel + 1])
        return cp0, cp1

    pend = fire(0, 0)
    for c in range(nch):
        sel = c % 2
        cp0, cp1 = pend
        if c + 1 < nch:
            nxt = fire(c + 1, 1 - sel)
        cp0.wait()
        cp1.wait()
        b0, b1 = bufs[2 * sel], bufs[2 * sel + 1]

        def add_row(i, _):
            iv = lax.broadcast(c * CCH + i, (16,))
            w0r = plsc.load_gather(wv0, [iv])
            w1r = plsc.load_gather(wv1, [iv])

            for j in range(D_MODEL // 16):
                sl = pl.ds(j * 16, 16)
                b0[i, sl] = b0[i, sl] * w0r + b1[i, sl] * w1r
            return 0

        lax.fori_loop(0, CCH, add_row, 0)
        pltpu.sync_copy(b0, out_hbm.at[pl.ds(base + c * CCH, CCH)])
        if c + 1 < nch:
            pend = nxt


@functools.cache
def _combine_kernel():
    return pl.kernel(
        _combine_body,
        mesh=plsc.VectorSubcoreMesh(core_axis_name="c", subcore_axis_name="s"),
        compiler_params=pltpu.CompilerParams(needs_layout_passes=False),
        out_type=jax.ShapeDtypeStruct((T, D_MODEL), jnp.float32),
        scratch_types=[
            [pltpu.VMEM((CCH, D_MODEL), jnp.float32) for _ in range(4)],
            [pltpu.VMEM((CCH,), jnp.int32) for _ in range(4)],
            pltpu.VMEM((TPW,), jnp.float32),
            pltpu.VMEM((TPW,), jnp.float32),
            [pltpu.SemaphoreType.DMA for _ in range(4)],
        ],
    )


def kernel(x, router_w, expert_in, expert_out):
    orig_shape = x.shape
    xf = x.reshape(-1, orig_shape[-1])
    d0, d1, w0, w1, bexp2d, nact2d = _router_call(xf, router_w)
    d0, d1 = d0.reshape(T), d1.reshape(T)
    w0, w1 = w0.reshape(T), w1.reshape(T)
    xs = _dispatch_kernel()(xf, d0, d1)
    bexp = bexp2d.reshape(NBE)[:NB]
    nact = nact2d.reshape(1)
    ys = _mlp_call(bexp, nact, xs, expert_in, expert_out)
    return xs

# --- scband reference (transcript-rebuilt; emitter-appended) ---
"""Pipeline reference for scband-mo-e-20753281974372 (READ-ONLY COPY).

The authoritative reference and input builder live on the scoring server;
editing this copy changes nothing except your own understanding.
"""

import jax, jax.numpy as jnp
import numpy as np

D_MODEL = 1024
N_EXPERTS = 8
TOP_K = 2
MLP_RATIO = 4.0
D_INT = int(D_MODEL * MLP_RATIO / TOP_K)  # 2048
BATCH = 1
SEQ = 2048


def setup_inputs(seed: int = 0) -> dict:
    key = jax.random.key(seed)
    k1, k2, k3, k4 = jax.random.split(key, 4)
    x = jax.random.normal(k1, (BATCH, SEQ, D_MODEL), dtype=jnp.float32)
    router_w = jax.random.normal(k2, (N_EXPERTS, D_MODEL), dtype=jnp.float32) * 0.02
    expert_in = jax.random.normal(k3, (N_EXPERTS, D_INT, D_MODEL), dtype=jnp.float32) * 0.02
    expert_out = jax.random.normal(k4, (N_EXPERTS, D_MODEL, D_INT), dtype=jnp.float32) * 0.02
    return {"x": x, "router_w": router_w, "expert_in": expert_in, "expert_out": expert_out}


def reference(x, router_w, expert_in, expert_out):
    orig_shape = x.shape
    xf = x.reshape(-1, orig_shape[-1])  # [T, d_model]
    # router (nn.Linear without bias): logits = x @ W^T
    logits = xf @ router_w.T  # [T, E]
    scores, expert = jax.lax.top_k(logits, TOP_K)  # [T, k], [T, k]
    # weights = softmax over the selected top-k scores: exp(s - logsumexp(s))
    weights = jnp.exp(scores - jax.scipy.special.logsumexp(scores, axis=-1, keepdims=True))  # [T, k]
    # Expert computation. The torch code uses grouped_mm over expert-sorted tokens;
    # mathematically each selected (token, expert) pair computes
    #   y = silu(x @ W_in[e]^T) @ W_out[e]^T
    # We compute all experts densely then gather the selected ones (same math).
    h = jax.nn.silu(jnp.einsum('td,eid->tei', xf, expert_in))  # [T, E, d_int]
    y_all = jnp.einsum('tei,eoi->teo', h, expert_out)          # [T, E, d_model]
    y_sel = jnp.take_along_axis(y_all, expert[:, :, None], axis=1)  # [T, k, d_model]
    out = (y_sel.astype(jnp.float32) * weights[:, :, None]).sum(axis=1)  # [T, d_model]
    return out.reshape(orig_shape)

if __name__ == "__main__":
    import jax
    _d = setup_inputs()
    print(jax.jit(kernel)(*tuple(_d.values())))

</pallas_src>

<mosaic_0001>
#map = affine_map<(d0, d1) -> (0, 0)>
#map1 = affine_map<(d0, d1) -> (0)>
module attributes {stable_mosaic.version = 14 : i64} {
  func.func @_dispatch_body(%arg0: i32, %arg1: i32, %arg2: memref<2048x1024xf32, #tpu.memory_space<hbm>>, %arg3: memref<2048xi32, #tpu.memory_space<hbm>>, %arg4: memref<2048xi32, #tpu.memory_space<hbm>>, %arg5: memref<9216x1024xf32, #tpu.memory_space<hbm>>, %arg6: memref<64x1024xf32, #tpu.memory_space<vmem>>, %arg7: memref<64xi32, #tpu.memory_space<vmem>>, %arg8: memref<64xi32, #tpu.memory_space<vmem>>, %arg9: memref<!tpu.dma_semaphore, #tpu.memory_space<semaphore_mem>>, %arg10: memref<!tpu.dma_semaphore, #tpu.memory_space<semaphore_mem>>) attributes {dimension_semantics = [#tpu.dimension_semantics<core_parallel>, #tpu.dimension_semantics<subcore_parallel>], iteration_bounds = array<i64: 2, 16>, scalar_prefetch = 0 : i64, scratch_operands = 5 : i64, tpu.core_type = #tpu.core_type<sc_vector_subcore>, window_params = [{transform_indices = #map}, {transform_indices = #map1}, {transform_indices = #map1}, {transform_indices = #map}]} {
    %mul3A = arith.constant 2 : i32
    %mul3A_0 = arith.muli %arg1, %mul3A : i32
    %add3A = arith.addi %mul3A_0, %arg0 : i32
    %mul3A_1 = arith.constant 64 : i32
    %mul3A_2 = arith.muli %add3A, %mul3A_1 : i32
    %add3A_3 = arith.constant 0 : i32
    %add3A_4 = arith.addi %mul3A_2, %add3A_3 : i32
    "tpu.region"() ({
      %run_scoped3A = tpu.sem_alloc : memref<!tpu.dma_semaphore, #tpu.memory_space<semaphore_mem>>
      %dma_start3A_15 = arith.constant 0 : i32
      %dma_start3A_16 = tpu.memref_slice %arg2[%add3A_4, %dma_start3A_15] : memref<2048x1024xf32, #tpu.memory_space<hbm>> -> memref<64x1024xf32, #tpu.memory_space<hbm>>
      %dma_start3A_17 = arith.constant 0 : i32
      %dma_start3A_18 = tpu.memref_slice %arg2[%add3A_4, %dma_start3A_17] : memref<2048x1024xf32, #tpu.memory_space<hbm>> -> memref<64x1024xf32, #tpu.memory_space<hbm>>
      tpu.enqueue_dma source(%dma_start3A_18 : memref<64x1024xf32, #tpu.memory_space<hbm>>) target(%arg6 : memref<64x1024xf32, #tpu.memory_space<vmem>>) target_semaphore(%run_scoped3A : memref<!tpu.dma_semaphore, #tpu.memory_space<semaphore_mem>>)
      %dma_wait3A_19 = arith.constant 0 : i32
      %dma_wait3A_20 = tpu.memref_slice %arg2[%add3A_4, %dma_wait3A_19] : memref<2048x1024xf32, #tpu.memory_space<hbm>> -> memref<64x1024xf32, #tpu.memory_space<hbm>>
      %dma_wait3A_21 = arith.constant 0 : i32
      %dma_wait3A_22 = tpu.memref_slice %arg2[%add3A_4, %dma_wait3A_21] : memref<2048x1024xf32, #tpu.memory_space<hbm>> -> memref<64x1024xf32, #tpu.memory_space<hbm>>
      tpu.wait_dma2 semaphore(%run_scoped3A : memref<!tpu.dma_semaphore, #tpu.memory_space<semaphore_mem>>) src(%dma_wait3A_22 : memref<64x1024xf32, #tpu.memory_space<hbm>>) dst(%arg6 : memref<64x1024xf32, #tpu.memory_space<vmem>>)
      tpu.yield
    }) : () -> ()
    "tpu.region"() ({
      %run_scoped3A = tpu.sem_alloc : memref<!tpu.dma_semaphore, #tpu.memory_space<semaphore_mem>>
      %dma_start3A_15 = tpu.memref_slice %arg3[%add3A_4] : memref<2048xi32, #tpu.memory_space<hbm>> -> memref<64xi32, #tpu.memory_space<hbm>>
      %dma_start3A_16 = tpu.memref_slice %arg3[%add3A_4] : memref<2048xi32, #tpu.memory_space<hbm>> -> memref<64xi32, #tpu.memory_space<hbm>>
      tpu.enqueue_dma source(%dma_start3A_16 : memref<64xi32, #tpu.memory_space<hbm>>) target(%arg7 : memref<64xi32, #tpu.memory_space<vmem>>) target_semaphore(%run_scoped3A : memref<!tpu.dma_semaphore, #tpu.memory_space<semaphore_mem>>)
      %dma_wait3A_17 = tpu.memref_slice %arg3[%add3A_4] : memref<2048xi32, #tpu.memory_space<hbm>> -> memref<64xi32, #tpu.memory_space<hbm>>
      %dma_wait3A_18 = tpu.memref_slice %arg3[%add3A_4] : memref<2048xi32, #tpu.memory_space<hbm>> -> memref<64xi32, #tpu.memory_space<hbm>>
      tpu.wait_dma2 semaphore(%run_scoped3A : memref<!tpu.dma_semaphore, #tpu.memory_space<semaphore_mem>>) src(%dma_wait3A_18 : memref<64xi32, #tpu.memory_space<hbm>>) dst(%arg7 : memref<64xi32, #tpu.memory_space<vmem>>)
      tpu.yield
    }) : () -> ()
    "tpu.region"() ({
      %run_scoped3A = tpu.sem_alloc : memref<!tpu.dma_semaphore, #tpu.memory_space<semaphore_mem>>
      %dma_start3A_15 = tpu.memref_slice %arg4[%add3A_4] : memref<2048xi32, #tpu.memory_space<hbm>> -> memref<64xi32, #tpu.memory_space<hbm>>
      %dma_start3A_16 = tpu.memref_slice %arg4[%add3A_4] : memref<2048xi32, #tpu.memory_space<hbm>> -> memref<64xi32, #tpu.memory_space<hbm>>
      tpu.enqueue_dma source(%dma_start3A_16 : memref<64xi32, #tpu.memory_space<hbm>>) target(%arg8 : memref<64xi32, #tpu.memory_space<vmem>>) target_semaphore(%run_scoped3A : memref<!tpu.dma_semaphore, #tpu.memory_space<semaphore_mem>>)
      %dma_wait3A_17 = tpu.memref_slice %arg4[%add3A_4] : memref<2048xi32, #tpu.memory_space<hbm>> -> memref<64xi32, #tpu.memory_space<hbm>>
      %dma_wait3A_18 = tpu.memref_slice %arg4[%add3A_4] : memref<2048xi32, #tpu.memory_space<hbm>> -> memref<64xi32, #tpu.memory_space<hbm>>
      tpu.wait_dma2 semaphore(%run_scoped3A : memref<!tpu.dma_semaphore, #tpu.memory_space<semaphore_mem>>) src(%dma_wait3A_18 : memref<64xi32, #tpu.memory_space<hbm>>) dst(%arg8 : memref<64xi32, #tpu.memory_space<vmem>>)
      tpu.yield
    }) : () -> ()
    %dma_start3A = arith.constant 0 : i32
    %dma_start3A_5 = arith.constant 0 : i32
    %dma_start3A_6 = tpu.memref_slice %arg5[%dma_start3A, %dma_start3A_5] : memref<9216x1024xf32, #tpu.memory_space<hbm>> -> memref<9216x1024xf32, #tpu.memory_space<hbm>>
    tpu.enqueue_indirect_dma source(%arg6 : memref<64x1024xf32, #tpu.memory_space<vmem>>) target(%dma_start3A_6 : memref<9216x1024xf32, #tpu.memory_space<hbm>>) offsets(%arg7 : memref<64xi32, #tpu.memory_space<vmem>>) semaphore(%arg9 : memref<!tpu.dma_semaphore, #tpu.memory_space<semaphore_mem>>)
    %dma_start3A_7 = arith.constant 0 : i32
    %dma_start3A_8 = arith.constant 0 : i32
    %dma_start3A_9 = tpu.memref_slice %arg5[%dma_start3A_7, %dma_start3A_8] : memref<9216x1024xf32, #tpu.memory_space<hbm>> -> memref<9216x1024xf32, #tpu.memory_space<hbm>>
    tpu.enqueue_indirect_dma source(%arg6 : memref<64x1024xf32, #tpu.memory_space<vmem>>) target(%dma_start3A_9 : memref<9216x1024xf32, #tpu.memory_space<hbm>>) offsets(%arg8 : memref<64xi32, #tpu.memory_space<vmem>>) semaphore(%arg10 : memref<!tpu.dma_semaphore, #tpu.memory_space<semaphore_mem>>)
    %dma_wait3A = arith.constant 0 : i32
    %dma_wait3A_10 = arith.constant 0 : i32
    %dma_wait3A_11 = tpu.memref_slice %arg5[%dma_wait3A, %dma_wait3A_10] : memref<9216x1024xf32, #tpu.memory_space<hbm>> -> memref<9216x1024xf32, #tpu.memory_space<hbm>>
    tpu.wait_indirect_dma semaphore(%arg9 : memref<!tpu.dma_semaphore, #tpu.memory_space<semaphore_mem>>) src(%arg6 : memref<64x1024xf32, #tpu.memory_space<vmem>>) dst(%dma_wait3A_11 : memref<9216x1024xf32, #tpu.memory_space<hbm>>)
    %dma_wait3A_12 = arith.constant 0 : i32
    %dma_wait3A_13 = arith.constant 0 : i32
    %dma_wait3A_14 = tpu.memref_slice %arg5[%dma_wait3A_12, %dma_wait3A_13] : memref<9216x1024xf32, #tpu.memory_space<hbm>> -> memref<9216x1024xf32, #tpu.memory_space<hbm>>
    tpu.wait_indirect_dma semaphore(%arg10 : memref<!tpu.dma_semaphore, #tpu.memory_space<semaphore_mem>>) src(%arg6 : memref<64x1024xf32, #tpu.memory_space<vmem>>) dst(%dma_wait3A_14 : memref<9216x1024xf32, #tpu.memory_space<hbm>>)
    return
  }
}

module attributes {stable_mosaic.version = 14 : i64} {
  func.func @_router_body(%arg0: memref<2048x1024xf32, #tpu.memory_space<vmem>>, %arg1: memref<8x1024xf32, #tpu.memory_space<vmem>>, %arg2: memref<2048x1xi32, #tpu.memory_space<vmem>>, %arg3: memref<2048x1xi32, #tpu.memory_space<vmem>>, %arg4: memref<2048x1xf32, #tpu.memory_space<vmem>>, %arg5: memref<2048x1xf32, #tpu.memory_space<vmem>>, %arg6: memref<1x64xi32, #tpu.memory_space<vmem>>, %arg7: memref<1x1xi32, #tpu.memory_space<vmem>>) attributes {dimension_semantics = [], scalar_prefetch = 0 : i64, scratch_operands = 0 : i64, tpu.core_type = #tpu.core_type<tc>} {
    %get3A = arith.constant 0 : index
    %get3A_0 = arith.constant 0 : index
    %get3A_1 = vector.load %arg0[%get3A, %get3A_0] : memref<2048x1024xf32, #tpu.memory_space<vmem>>, vector<2048x1024xf32>
    %get3A_2 = arith.constant 0 : index
    %get3A_3 = arith.constant 0 : index
    %get3A_4 = vector.load %arg1[%get3A_2, %get3A_3] : memref<8x1024xf32, #tpu.memory_space<vmem>>, vector<8x1024xf32>
    %dot_general3A = arith.constant dense<0.000000e+00> : vector<2048x8xf32>
    %dot_general3A_5 = tpu.matmul %get3A_1, %get3A_4, %dot_general3A {dimension_numbers = #tpu.dot_dimension_numbers<[1], [1], [0], [0], [0, 0, 1, 0], [], []>, transpose_lhs_hint = false} : vector<2048x1024xf32>, vector<8x1024xf32>, vector<2048x8xf32> -> vector<2048x8xf32>
    %iota3A = tpu.iota {dimensions = array<i32: 1>} : vector<2048x8xi32>
    %reduce_max3A = arith.constant dense<0xFF800000> : vector<2048xf32>
    %reduce_max3A_6 = vector.multi_reduction <maximumf>, %dot_general3A_5, %reduce_max3A [1] : vector<2048x8xf32> to vector<2048xf32>
    %broadcast_in_dim3A = vector.shape_cast %reduce_max3A_6 : vector<2048xf32> to vector<2048x1xf32>
    %eq3A = vector.broadcast %broadcast_in_dim3A : vector<2048x1xf32> to vector<2048x8xf32>
    %eq3A_7 = arith.cmpf oeq, %dot_general3A_5, %eq3A : vector<2048x8xf32>
    %jit3A = arith.constant 8 : i32
    %broadcast_in_dim3A_8 = vector.broadcast %jit3A : i32 to vector<2048x8xi32>
    %select_n3A = arith.select %eq3A_7, %iota3A, %broadcast_in_dim3A_8 : vector<2048x8xi1>, vector<2048x8xi32>
    %reduce_min3A = arith.constant dense<2147483647> : vector<2048xi32>
    %reduce_min3A_9 = vector.multi_reduction <minsi>, %select_n3A, %reduce_min3A [1] : vector<2048x8xi32> to vector<2048xi32>
    %broadcast_in_dim3A_10 = vector.shape_cast %reduce_min3A_9 : vector<2048xi32> to vector<2048x1xi32>
    %eq3A_11 = vector.broadcast %broadcast_in_dim3A_10 : vector<2048x1xi32> to vector<2048x8xi32>
    %eq3A_12 = arith.cmpi eq, %iota3A, %eq3A_11 : vector<2048x8xi32>
    %jit3A_13 = arith.constant 0xFF800000 : f32
    %broadcast_in_dim3A_14 = vector.broadcast %jit3A_13 : f32 to vector<2048x8xf32>
    %select_n3A_15 = arith.select %eq3A_12, %broadcast_in_dim3A_14, %dot_general3A_5 : vector<2048x8xi1>, vector<2048x8xf32>
    %reduce_max3A_16 = arith.constant dense<0xFF800000> : vector<2048xf32>
    %reduce_max3A_17 = vector.multi_reduction <maximumf>, %select_n3A_15, %reduce_max3A_16 [1] : vector<2048x8xf32> to vector<2048xf32>
    %broadcast_in_dim3A_18 = vector.shape_cast %reduce_max3A_17 : vector<2048xf32> to vector<2048x1xf32>
    %eq3A_19 = vector.broadcast %broadcast_in_dim3A_18 : vector<2048x1xf32> to vector<2048x8xf32>
    %eq3A_20 = arith.cmpf oeq, %select_n3A_15, %eq3A_19 : vector<2048x8xf32>
    %jit3A_21 = arith.constant 8 : i32
    %broadcast_in_dim3A_22 = vector.broadcast %jit3A_21 : i32 to vector<2048x8xi32>
    %select_n3A_23 = arith.select %eq3A_20, %iota3A, %broadcast_in_dim3A_22 : vector<2048x8xi1>, vector<2048x8xi32>
    %reduce_min3A_24 = arith.constant dense<2147483647> : vector<2048xi32>
    %reduce_min3A_25 = vector.multi_reduction <minsi>, %select_n3A_23, %reduce_min3A_24 [1] : vector<2048x8xi32> to vector<2048xi32>
    %broadcast_in_dim3A_26 = vector.shape_cast %reduce_min3A_25 : vector<2048xi32> to vector<2048x1xi32>
    %sub3A = arith.subf %broadcast_in_dim3A_18, %broadcast_in_dim3A : vector<2048x1xf32>
    %exp3A = math.exp %sub3A : vector<2048x1xf32>
    %add3A = arith.constant 1.000000e+00 : f32
    %add3A_27 = vector.broadcast %add3A : f32 to vector<2048x1xf32>
    %add3A_28 = arith.addf %add3A_27, %exp3A : vector<2048x1xf32>
    %div3A = arith.constant 1.000000e+00 : f32
    %div3A_29 = vector.broadcast %div3A : f32 to vector<2048x1xf32>
    %div3A_30 = arith.divf %div3A_29, %add3A_28 : vector<2048x1xf32>
    %add3A_31 = arith.constant 1.000000e+00 : f32
    %add3A_32 = vector.broadcast %add3A_31 : f32 to vector<2048x1xf32>
    %add3A_33 = arith.addf %add3A_32, %exp3A : vector<2048x1xf32>
    %div3A_34 = arith.divf %exp3A, %add3A_33 : vector<2048x1xf32>
    %swap3A = arith.constant 0 : index
    %swap3A_35 = arith.constant 0 : index
    %swap3A_36 = vector.load %arg4[%swap3A, %swap3A_35] : memref<2048x1xf32, #tpu.memory_space<vmem>>, vector<2048x1xf32>
    tpu.vector_store %arg4[%swap3A, %swap3A_35], %div3A_30 {strides = array<i32>} : memref<2048x1xf32, #tpu.memory_space<vmem>>, vector<2048x1xf32>,
    %swap3A_37 = arith.constant 0 : index
    %swap3A_38 = arith.constant 0 : index
    %swap3A_39 = vector.load %arg5[%swap3A_37, %swap3A_38] : memref<2048x1xf32, #tpu.memory_space<vmem>>, vector<2048x1xf32>
    tpu.vector_store %arg5[%swap3A_37, %swap3A_38], %div3A_34 {strides = array<i32>} : memref<2048x1xf32, #tpu.memory_space<vmem>>, vector<2048x1xf32>,
    %eq3A_40 = vector.broadcast %broadcast_in_dim3A_10 : vector<2048x1xi32> to vector<2048x8xi32>
    %eq3A_41 = arith.cmpi eq, %iota3A, %eq3A_40 : vector<2048x8xi32>
    %convert_element_type3A = arith.extui %eq3A_41 : vector<2048x8xi1> to vector<2048x8xi32>
    %convert_element_type3A_42 = arith.sitofp %convert_element_type3A : vector<2048x8xi32> to vector<2048x8xf32>
    %eq3A_43 = vector.broadcast %broadcast_in_dim3A_26 : vector<2048x1xi32> to vector<2048x8xi32>
    %eq3A_44 = arith.cmpi eq, %iota3A, %eq3A_43 : vector<2048x8xi32>
    %convert_element_type3A_45 = arith.extui %eq3A_44 : vector<2048x8xi1> to vector<2048x8xi32>
    %convert_element_type3A_46 = arith.sitofp %convert_element_type3A_45 : vector<2048x8xi32> to vector<2048x8xf32>
    %iota3A_47 = tpu.iota {dimensions = array<i32: 0>} : vector<512x512xi32>
    %iota3A_48 = tpu.iota {dimensions = array<i32: 1>} : vector<512x512xi32>
    %gt3A = arith.cmpi sgt, %iota3A_47, %iota3A_48 : vector<512x512xi32>
    %convert_element_type3A_49 = arith.extui %gt3A : vector<512x512xi1> to vector<512x512xi32>
    %convert_element_type3A_50 = arith.sitofp %convert_element_type3A_49 : vector<512x512xi32> to vector<512x512xf32>
    %broadcast_in_dim3A_51 = arith.constant 0.000000e+00 : f32
    %broadcast_in_dim3A_52 = vector.broadcast %broadcast_in_dim3A_51 : f32 to vector<1x8xf32>
    %slice3A = vector.extract_strided_slice %convert_element_type3A_42 {offsets = [0, 0], sizes = [512, 8], strides = [1, 1]} : vector<2048x8xf32> to vector<512x8xf32>
    %dot_general3A_53 = arith.constant dense<0.000000e+00> : vector<512x8xf32>
    %dot_general3A_54 = tpu.matmul %convert_element_type3A_50, %slice3A, %dot_general3A_53 {dimension_numbers = #tpu.dot_dimension_numbers<[1], [0], [0], [1], [0, 0, 1, 1], [], []>, transpose_lhs_hint = false} : vector<512x512xf32>, vector<512x8xf32>, vector<512x8xf32> -> vector<512x8xf32>
    %add3A_55 = vector.broadcast %broadcast_in_dim3A_52 : vector<1x8xf32> to vector<512x8xf32>
    %add3A_56 = arith.addf %dot_general3A_54, %add3A_55 : vector<512x8xf32>
    %reduce_sum3A = arith.constant dense<0.000000e+00> : vector<8xf32>
    %reduce_sum3A_57 = vector.multi_reduction <add>, %slice3A, %reduce_sum3A [0] : vector<512x8xf32> to vector<8xf32>
    %broadcast_in_dim3A_58 = vector.shape_cast %reduce_sum3A_57 : vector<8xf32> to vector<1x8xf32>
    %add3A_59 = arith.addf %broadcast_in_dim3A_52, %broadcast_in_dim3A_58 : vector<1x8xf32>
    %slice3A_60 = vector.extract_strided_slice %convert_element_type3A_42 {offsets = [512, 0], sizes = [512, 8], strides = [1, 1]} : vector<2048x8xf32> to vector<512x8xf32>
    %dot_general3A_61 = arith.constant dense<0.000000e+00> : vector<512x8xf32>
    %dot_general3A_62 = tpu.matmul %convert_element_type3A_50, %slice3A_60, %dot_general3A_61 {dimension_numbers = #tpu.dot_dimension_numbers<[1], [0], [0], [1], [0, 0, 1, 1], [], []>, transpose_lhs_hint = false} : vector<512x512xf32>, vector<512x8xf32>, vector<512x8xf32> -> vector<512x8xf32>
    %add3A_63 = vector.broadcast %add3A_59 : vector<1x8xf32> to vector<512x8xf32>
    %add3A_64 = arith.addf %dot_general3A_62, %add3A_63 : vector<512x8xf32>
    %reduce_sum3A_65 = arith.constant dense<0.000000e+00> : vector<8xf32>
    %reduce_sum3A_66 = vector.multi_reduction <add>, %slice3A_60, %reduce_sum3A_65 [0] : vector<512x8xf32> to vector<8xf32>
    %broadcast_in_dim3A_67 = vector.shape_cast %reduce_sum3A_66 : vector<8xf32> to vector<1x8xf32>
    %add3A_68 = arith.addf %add3A_59, %broadcast_in_dim3A_67 : vector<1x8xf32>
    %slice3A_69 = vector.extract_strided_slice %convert_element_type3A_42 {offsets = [1024, 0], sizes = [512, 8], strides = [1, 1]} : vector<2048x8xf32> to vector<512x8xf32>
    %dot_general3A_70 = arith.constant dense<0.000000e+00> : vector<512x8xf32>
    %dot_general3A_71 = tpu.matmul %convert_element_type3A_50, %slice3A_69, %dot_general3A_70 {dimension_numbers = #tpu.dot_dimension_numbers<[1], [0], [0], [1], [0, 0, 1, 1], [], []>, transpose_lhs_hint = false} : vector<512x512xf32>, vector<512x8xf32>, vector<512x8xf32> -> vector<512x8xf32>
    %add3A_72 = vector.broadcast %add3A_68 : vector<1x8xf32> to vector<512x8xf32>
    %add3A_73 = arith.addf %dot_general3A_71, %add3A_72 : vector<512x8xf32>
    %reduce_sum3A_74 = arith.constant dense<0.000000e+00> : vector<8xf32>
    %reduce_sum3A_75 = vector.multi_reduction <add>, %slice3A_69, %reduce_sum3A_74 [0] : vector<512x8xf32> to vector<8xf32>
    %broadcast_in_dim3A_76 = vector.shape_cast %reduce_sum3A_75 : vector<8xf32> to vector<1x8xf32>
    %add3A_77 = arith.addf %add3A_68, %broadcast_in_dim3A_76 : vector<1x8xf32>
    %slice3A_78 = vector.extract_strided_slice %convert_element_type3A_42 {offsets = [1536, 0], sizes = [512, 8], strides = [1, 1]} : vector<2048x8xf32> to vector<512x8xf32>
    %dot_general3A_79 = arith.constant dense<0.000000e+00> : vector<512x8xf32>
    %dot_general3A_80 = tpu.matmul %convert_element_type3A_50, %slice3A_78, %dot_general3A_79 {dimension_numbers = #tpu.dot_dimension_numbers<[1], [0], [0], [1], [0, 0, 1, 1], [], []>, transpose_lhs_hint = false} : vector<512x512xf32>, vector<512x8xf32>, vector<512x8xf32> -> vector<512x8xf32>
    %add3A_81 = vector.broadcast %add3A_77 : vector<1x8xf32> to vector<512x8xf32>
    %add3A_82 = arith.addf %dot_general3A_80, %add3A_81 : vector<512x8xf32>
    %reduce_sum3A_83 = arith.constant dense<0.000000e+00> : vector<8xf32>
    %reduce_sum3A_84 = vector.multi_reduction <add>, %slice3A_78, %reduce_sum3A_83 [0] : vector<512x8xf32> to vector<8xf32>
    %broadcast_in_dim3A_85 = vector.shape_cast %reduce_sum3A_84 : vector<8xf32> to vector<1x8xf32>
    %add3A_86 = arith.addf %add3A_77, %broadcast_in_dim3A_85 : vector<1x8xf32>
    %concatenate3A = tpu.concatenate %add3A_56, %add3A_64, %add3A_73, %add3A_82 in 0 : vector<512x8xf32>, vector<512x8xf32>, vector<512x8xf32>, vector<512x8xf32> -> vector<2048x8xf32>
    %slice3A_87 = vector.extract_strided_slice %convert_element_type3A_46 {offsets = [0, 0], sizes = [512, 8], strides = [1, 1]} : vector<2048x8xf32> to vector<512x8xf32>
    %dot_general3A_88 = arith.constant dense<0.000000e+00> : vector<512x8xf32>
    %dot_general3A_89 = tpu.matmul %convert_element_type3A_50, %slice3A_87, %dot_general3A_88 {dimension_numbers = #tpu.dot_dimension_numbers<[1], [0], [0], [1], [0, 0, 1, 1], [], []>, transpose_lhs_hint = false} : vector<512x512xf32>, vector<512x8xf32>, vector<512x8xf32> -> vector<512x8xf32>
    %add3A_90 = vector.broadcast %add3A_86 : vector<1x8xf32> to vector<512x8xf32>
    %add3A_91 = arith.addf %dot_general3A_89, %add3A_90 : vector<512x8xf32>
    %reduce_sum3A_92 = arith.constant dense<0.000000e+00> : vector<8xf32>
    %reduce_sum3A_93 = vector.multi_reduction <add>, %slice3A_87, %reduce_sum3A_92 [0] : vector<512x8xf32> to vector<8xf32>
    %broadcast_in_dim3A_94 = vector.shape_cast %reduce_sum3A_93 : vector<8xf32> to vector<1x8xf32>
    %add3A_95 = arith.addf %add3A_86, %broadcast_in_dim3A_94 : vector<1x8xf32>
    %slice3A_96 = vector.extract_strided_slice %convert_element_type3A_46 {offsets = [512, 0], sizes = [512, 8], strides = [1, 1]} : vector<2048x8xf32> to vector<512x8xf32>
    %dot_general3A_97 = arith.constant dense<0.000000e+00> : vector<512x8xf32>
    %dot_general3A_98 = tpu.matmul %convert_element_type3A_50, %slice3A_96, %dot_general3A_97 {dimension_numbers = #tpu.dot_dimension_numbers<[1], [0], [0], [1], [0, 0, 1, 1], [], []>, transpose_lhs_hint = false} : vector<512x512xf32>, vector<512x8xf32>, vector<512x8xf32> -> vector<512x8xf32>
    %add3A_99 = vector.broadcast %add3A_95 : vector<1x8xf32> to vector<512x8xf32>
    %add3A_100 = arith.addf %dot_general3A_98, %add3A_99 : vector<512x8xf32>
    %reduce_sum3A_101 = arith.constant dense<0.000000e+00> : vector<8xf32>
    %reduce_sum3A_102 = vector.multi_reduction <add>, %slice3A_96, %reduce_sum3A_101 [0] : vector<512x8xf32> to vector<8xf32>
    %broadcast_in_dim3A_103 = vector.shape_cast %reduce_sum3A_102 : vector<8xf32> to vector<1x8xf32>
    %add3A_104 = arith.addf %add3A_95, %broadcast_in_dim3A_103 : vector<1x8xf32>
    %slice3A_105 = vector.extract_strided_slice %convert_element_type3A_46 {offsets = [1024, 0], sizes = [512, 8], strides = [1, 1]} : vector<2048x8xf32> to vector<512x8xf32>
    %dot_general3A_106 = arith.constant dense<0.000000e+00> : vector<512x8xf32>
    %dot_general3A_107 = tpu.matmul %convert_element_type3A_50, %slice3A_105, %dot_general3A_106 {dimension_numbers = #tpu.dot_dimension_numbers<[1], [0], [0], [1], [0, 0, 1, 1], [], []>, transpose_lhs_hint = false} : vector<512x512xf32>, vector<512x8xf32>, vector<512x8xf32> -> vector<512x8xf32>
    %add3A_108 = vector.broadcast %add3A_104 : vector<1x8xf32> to vector<512x8xf32>
    %add3A_109 = arith.addf %dot_general3A_107, %add3A_108 : vector<512x8xf32>
    %reduce_sum3A_110 = arith.constant dense<0.000000e+00> : vector<8xf32>
    %reduce_sum3A_111 = vector.multi_reduction <add>, %slice3A_105, %reduce_sum3A_110 [0] : vector<512x8xf32> to vector<8xf32>
    %broadcast_in_dim3A_112 = vector.shape_cast %reduce_sum3A_111 : vector<8xf32> to vector<1x8xf32>
    %add3A_113 = arith.addf %add3A_104, %broadcast_in_dim3A_112 : vector<1x8xf32>
    %slice3A_114 = vector.extract_strided_slice %convert_element_type3A_46 {offsets = [1536, 0], sizes = [512, 8], strides = [1, 1]} : vector<2048x8xf32> to vector<512x8xf32>
    %dot_general3A_115 = arith.constant dense<0.000000e+00> : vector<512x8xf32>
    %dot_general3A_116 = tpu.matmul %convert_element_type3A_50, %slice3A_114, %dot_general3A_115 {dimension_numbers = #tpu.dot_dimension_numbers<[1], [0], [0], [1], [0, 0, 1, 1], [], []>, transpose_lhs_hint = false} : vector<512x512xf32>, vector<512x8xf32>, vector<512x8xf32> -> vector<512x8xf32>
    %add3A_117 = vector.broadcast %add3A_113 : vector<1x8xf32> to vector<512x8xf32>
    %add3A_118 = arith.addf %dot_general3A_116, %add3A_117 : vector<512x8xf32>
    %reduce_sum3A_119 = arith.constant dense<0.000000e+00> : vector<8xf32>
    %reduce_sum3A_120 = vector.multi_reduction <add>, %slice3A_114, %reduce_sum3A_119 [0] : vector<512x8xf32> to vector<8xf32>
    %broadcast_in_dim3A_121 = vector.shape_cast %reduce_sum3A_120 : vector<8xf32> to vector<1x8xf32>
    %add3A_122 = arith.addf %add3A_113, %broadcast_in_dim3A_121 : vector<1x8xf32>
    %concatenate3A_123 = tpu.concatenate %add3A_91, %add3A_100, %add3A_109, %add3A_118 in 0 : vector<512x8xf32>, vector<512x8xf32>, vector<512x8xf32>, vector<512x8xf32> -> vector<2048x8xf32>
    %convert_element_type3A_124 = arith.fptosi %add3A_122 : vector<1x8xf32> to vector<1x8xi32>
    %add3A_125 = arith.constant 575 : i32
    %add3A_126 = vector.broadcast %add3A_125 : i32 to vector<1x8xi32>
    %add3A_127 = arith.addi %convert_element_type3A_124, %add3A_126 : vector<1x8xi32>
    %jit3A_128 = arith.constant 576 : i32
    %div3A_129 = vector.broadcast %jit3A_128 : i32 to vector<1x8xi32>
    %div3A_130 = arith.divsi %add3A_127, %div3A_129 : vector<1x8xi32>
    %sign3A = arith.constant 0 : i32
    %sign3A_131 = vector.broadcast %sign3A : i32 to vector<1x8xi32>
    %sign3A_132 = arith.cmpi sgt, %add3A_127, %sign3A_131 : vector<1x8xi32>
    %sign3A_133 = arith.extui %sign3A_132 : vector<1x8xi1> to vector<1x8xi32>
    %sign3A_134 = arith.constant 0 : i32
    %sign3A_135 = vector.broadcast %sign3A_134 : i32 to vector<1x8xi32>
    %sign3A_136 = arith.cmpi slt, %add3A_127, %sign3A_135 : vector<1x8xi32>
    %sign3A_137 = arith.extui %sign3A_136 : vector<1x8xi1> to vector<1x8xi32>
    %sign3A_138 = arith.subi %sign3A_133, %sign3A_137 : vector<1x8xi32>
    %sign3A_139 = arith.constant 0 : i32
    %sign3A_140 = arith.cmpi sgt, %jit3A_128, %sign3A_139 : i32
    %sign3A_141 = arith.extui %sign3A_140 : i1 to i32
    %sign3A_142 = arith.constant 0 : i32
    %sign3A_143 = arith.cmpi slt, %jit3A_128, %sign3A_142 : i32
    %sign3A_144 = arith.extui %sign3A_143 : i1 to i32
    %sign3A_145 = arith.subi %sign3A_141, %sign3A_144 : i32
    %ne3A = vector.broadcast %sign3A_145 : i32 to vector<1x8xi32>
    %ne3A_146 = arith.cmpi ne, %sign3A_138, %ne3A : vector<1x8xi32>
    %rem3A = vector.broadcast %jit3A_128 : i32 to vector<1x8xi32>
    %rem3A_147 = arith.remsi %add3A_127, %rem3A : vector<1x8xi32>
    %ne3A_148 = arith.constant 0 : i32
    %ne3A_149 = vector.broadcast %ne3A_148 : i32 to vector<1x8xi32>
    %ne3A_150 = arith.cmpi ne, %rem3A_147, %ne3A_149 : vector<1x8xi32>
    %and3A = arith.andi %ne3A_146, %ne3A_150 : vector<1x8xi1>
    %sub3A_151 = arith.constant 1 : i32
    %sub3A_152 = vector.broadcast %sub3A_151 : i32 to vector<1x8xi32>
    %sub3A_153 = arith.subi %div3A_130, %sub3A_152 : vector<1x8xi32>
    %select_n3A_154 = arith.select %and3A, %sub3A_153, %div3A_130 : vector<1x8xi1>, vector<1x8xi32>
    %mul3A = arith.constant 576 : i32
    %mul3A_155 = vector.broadcast %mul3A : i32 to vector<1x8xi32>
    %mul3A_156 = arith.muli %select_n3A_154, %mul3A_155 : vector<1x8xi32>
    %jit3A_157 = arith.constant 576 : i32
    %div3A_158 = vector.broadcast %jit3A_157 : i32 to vector<1x8xi32>
    %div3A_159 = arith.divsi %mul3A_156, %div3A_158 : vector<1x8xi32>
    %sign3A_160 = arith.constant 0 : i32
    %sign3A_161 = vector.broadcast %sign3A_160 : i32 to vector<1x8xi32>
    %sign3A_162 = arith.cmpi sgt, %mul3A_156, %sign3A_161 : vector<1x8xi32>
    %sign3A_163 = arith.extui %sign3A_162 : vector<1x8xi1> to vector<1x8xi32>
    %sign3A_164 = arith.constant 0 : i32
    %sign3A_165 = vector.broadcast %sign3A_164 : i32 to vector<1x8xi32>
    %sign3A_166 = arith.cmpi slt, %mul3A_156, %sign3A_165 : vector<1x8xi32>
    %sign3A_167 = arith.extui %sign3A_166 : vector<1x8xi1> to vector<1x8xi32>
    %sign3A_168 = arith.subi %sign3A_163, %sign3A_167 : vector<1x8xi32>
    %sign3A_169 = arith.constant 0 : i32
    %sign3A_170 = arith.cmpi sgt, %jit3A_157, %sign3A_169 : i32
    %sign3A_171 = arith.extui %sign3A_170 : i1 to i32
    %sign3A_172 = arith.constant 0 : i32
    %sign3A_173 = arith.cmpi slt, %jit3A_157, %sign3A_172 : i32
    %sign3A_174 = arith.extui %sign3A_173 : i1 to i32
    %sign3A_175 = arith.subi %sign3A_171, %sign3A_174 : i32
    %ne3A_176 = vector.broadcast %sign3A_175 : i32 to vector<1x8xi32>
    %ne3A_177 = arith.cmpi ne, %sign3A_168, %ne3A_176 : vector<1x8xi32>
    %rem3A_178 = vector.broadcast %jit3A_157 : i32 to vector<1x8xi32>
    %rem3A_179 = arith.remsi %mul3A_156, %rem3A_178 : vector<1x8xi32>
    %ne3A_180 = arith.constant 0 : i32
    %ne3A_181 = vector.broadcast %ne3A_180 : i32 to vector<1x8xi32>
    %ne3A_182 = arith.cmpi ne, %rem3A_179, %ne3A_181 : vector<1x8xi32>
    %and3A_183 = arith.andi %ne3A_177, %ne3A_182 : vector<1x8xi1>
    %sub3A_184 = arith.constant 1 : i32
    %sub3A_185 = vector.broadcast %sub3A_184 : i32 to vector<1x8xi32>
    %sub3A_186 = arith.subi %div3A_159, %sub3A_185 : vector<1x8xi32>
    %select_n3A_187 = arith.select %and3A_183, %sub3A_186, %div3A_159 : vector<1x8xi1>, vector<1x8xi32>
    %iota3A_188 = tpu.iota {dimensions = array<i32: 0>} : vector<8x8xi32>
    %iota3A_189 = tpu.iota {dimensions = array<i32: 1>} : vector<8x8xi32>
    %lt3A = arith.cmpi slt, %iota3A_188, %iota3A_189 : vector<8x8xi32>
    %convert_element_type3A_190 = arith.extui %lt3A : vector<8x8xi1> to vector<8x8xi32>
    %convert_element_type3A_191 = arith.sitofp %convert_element_type3A_190 : vector<8x8xi32> to vector<8x8xf32>
    %convert_element_type3A_192 = arith.sitofp %mul3A_156 : vector<1x8xi32> to vector<1x8xf32>
    %dot_general3A_193 = arith.constant dense<0.000000e+00> : vector<1x8xf32>
    %dot_general3A_194 = tpu.matmul %convert_element_type3A_192, %convert_element_type3A_191, %dot_general3A_193 {dimension_numbers = #tpu.dot_dimension_numbers<[1], [0], [0], [1], [0, 0, 1, 1], [], []>, transpose_lhs_hint = false} : vector<1x8xf32>, vector<8x8xf32>, vector<1x8xf32> -> vector<1x8xf32>
    %add3A_195 = vector.broadcast %dot_general3A_194 : vector<1x8xf32> to vector<2048x8xf32>
    %add3A_196 = arith.addf %concatenate3A, %add3A_195 : vector<2048x8xf32>
    %mul3A_197 = arith.mulf %convert_element_type3A_42, %add3A_196 : vector<2048x8xf32>
    %reduce_sum3A_198 = arith.constant dense<0.000000e+00> : vector<2048xf32>
    %reduce_sum3A_199 = vector.multi_reduction <add>, %mul3A_197, %reduce_sum3A_198 [1] : vector<2048x8xf32> to vector<2048xf32>
    %broadcast_in_dim3A_200 = vector.shape_cast %reduce_sum3A_199 : vector<2048xf32> to vector<2048x1xf32>
    %add3A_201 = vector.broadcast %dot_general3A_194 : vector<1x8xf32> to vector<2048x8xf32>
    %add3A_202 = arith.addf %concatenate3A_123, %add3A_201 : vector<2048x8xf32>
    %mul3A_203 = arith.mulf %convert_element_type3A_46, %add3A_202 : vector<2048x8xf32>
    %reduce_sum3A_204 = arith.constant dense<0.000000e+00> : vector<2048xf32>
    %reduce_sum3A_205 = vector.multi_reduction <add>, %mul3A_203, %reduce_sum3A_204 [1] : vector<2048x8xf32> to vector<2048xf32>
    %broadcast_in_dim3A_206 = vector.shape_cast %reduce_sum3A_205 : vector<2048xf32> to vector<2048x1xf32>
    %convert_element_type3A_207 = arith.fptosi %broadcast_in_dim3A_200 : vector<2048x1xf32> to vector<2048x1xi32>
    %swap3A_208 = arith.constant 0 : index
    %swap3A_209 = arith.constant 0 : index
    %swap3A_210 = vector.load %arg2[%swap3A_208, %swap3A_209] : memref<2048x1xi32, #tpu.memory_space<vmem>>, vector<2048x1xi32>
    tpu.vector_store %arg2[%swap3A_208, %swap3A_209], %convert_element_type3A_207 {strides = array<i32>} : memref<2048x1xi32, #tpu.memory_space<vmem>>, vector<2048x1xi32>,
    %convert_element_type3A_211 = arith.fptosi %broadcast_in_dim3A_206 : vector<2048x1xf32> to vector<2048x1xi32>
    %swap3A_212 = arith.constant 0 : index
    %swap3A_213 = arith.constant 0 : index
    %swap3A_214 = vector.load %arg3[%swap3A_212, %swap3A_213] : memref<2048x1xi32, #tpu.memory_space<vmem>>, vector<2048x1xi32>
    tpu.vector_store %arg3[%swap3A_212, %swap3A_213], %convert_element_type3A_211 {strides = array<i32>} : memref<2048x1xi32, #tpu.memory_space<vmem>>, vector<2048x1xi32>,
    %convert_element_type3A_215 = arith.sitofp %select_n3A_187 : vector<1x8xi32> to vector<1x8xf32>
    %dot_general3A_216 = arith.constant dense<0.000000e+00> : vector<1x8xf32>
    %dot_general3A_217 = tpu.matmul %convert_element_type3A_215, %convert_element_type3A_191, %dot_general3A_216 {dimension_numbers = #tpu.dot_dimension_numbers<[1], [0], [0], [1], [0, 0, 1, 1], [], []>, transpose_lhs_hint = false} : vector<1x8xf32>, vector<8x8xf32>, vector<1x8xf32> -> vector<1x8xf32>
    %iota3A_218 = tpu.iota {dimensions = array<i32: 1>} : vector<8x64xi32>
    %convert_element_type3A_219 = arith.fptosi %dot_general3A_217 : vector<1x8xf32> to vector<1x8xi32>
    %reshape3A = vector.shape_cast %convert_element_type3A_219 : vector<1x8xi32> to vector<8x1xi32>
    %ge3A = vector.broadcast %reshape3A : vector<8x1xi32> to vector<8x64xi32>
    %ge3A_220 = arith.cmpi sge, %iota3A_218, %ge3A : vector<8x64xi32>
    %convert_element_type3A_221 = arith.extui %ge3A_220 : vector<8x64xi1> to vector<8x64xi32>
    %reduce_sum3A_222 = arith.constant dense<0> : vector<64xi32>
    %reduce_sum3A_223 = vector.multi_reduction <add>, %convert_element_type3A_221, %reduce_sum3A_222 [0] : vector<8x64xi32> to vector<64xi32>
    %broadcast_in_dim3A_224 = vector.shape_cast %reduce_sum3A_223 : vector<64xi32> to vector<1x64xi32>
    %sub3A_225 = arith.constant 1 : i32
    %sub3A_226 = vector.broadcast %sub3A_225 : i32 to vector<1x64xi32>
    %sub3A_227 = arith.subi %broadcast_in_dim3A_224, %sub3A_226 : vector<1x64xi32>
    %swap3A_228 = arith.constant 0 : index
    %swap3A_229 = arith.constant 0 : index
    %swap3A_230 = vector.load %arg6[%swap3A_228, %swap3A_229] : memref<1x64xi32, #tpu.memory_space<vmem>>, vector<1x64xi32>
    tpu.vector_store %arg6[%swap3A_228, %swap3A_229], %sub3A_227 {strides = array<i32>} : memref<1x64xi32, #tpu.memory_space<vmem>>, vector<1x64xi32>,
    %reduce_sum3A_231 = vector.shape_cast %select_n3A_187 : vector<1x8xi32> to vector<1x1x8xi32>
    %reduce_sum3A_232 = arith.constant dense<0> : vector<1xi32>
    %reduce_sum3A_233 = vector.multi_reduction <add>, %reduce_sum3A_231, %reduce_sum3A_232 [1, 2] : vector<1x1x8xi32> to vector<1xi32>
    %reduce_sum3A_234 = vector.shape_cast %reduce_sum3A_233 : vector<1xi32> to vector<1x1x1xi32>
    %reduce_sum3A_235 = vector.extract %reduce_sum3A_234[0, 0, 0] : i32 from vector<1x1x1xi32>
    %reshape3A_236 = vector.broadcast %reduce_sum3A_235 : i32 to vector<1x1xi32>
    %swap3A_237 = arith.constant 0 : index
    %swap3A_238 = arith.constant 0 : index
    %swap3A_239 = vector.load %arg7[%swap3A_237, %swap3A_238] : memref<1x1xi32, #tpu.memory_space<vmem>>, vector<1x1xi32>
    tpu.vector_store %arg7[%swap3A_237, %swap3A_238], %reshape3A_236 {strides = array<i32>} : memref<1x1xi32, #tpu.memory_space<vmem>>, vector<1x1xi32>,
    return
  }
}

</mosaic_0001>

<sc_bundles>
// kernel: kernel.4.cloned.1.call-start
scs
__scs_entry_jumppad:
0x0: {  	(pc) =	sbr.rel $0x88, $3  }
0x1: {  	(tag) =	ssettag $0x0;
	lr =	simm.s32 $0x1  }
0x2: {  	[smem:$0x3F9D] =	sst lr;
	_ =	strace $0xD0000000  }
0x3: {  	_ = 	snop  }
0x4: {  	_ = 	snop  }
0x5: {  	_ = 	snop  }
0x6: {  	_ = 	snop  }
0x7: {  	_ = 	snop  }
__scs_overlays_trampoline_lowered:
0x8: {  	[smem:$0x3FAC] =	sst s0  }
0x9: {  	[smem:$0x3FAD] =	sst s1  }
0xa: {  	[smem:$0x3FAE] =	sst s2  }
0xb: {  	[smem:$0x3FAF] =	sst s3  }
0xc: {  	[smem:$0x3FB0] =	sst s4  }
0xd: {  	[smem:$0x3FB1] =	sst s5  }
0xe: {  	[smem:$0x3FB2] =	sst s6  }
0xf: {  	[smem:$0x3FB3] =	sst s7  }
0x10: {  	[smem:$0x3FB4] =	sst s8  }
0x11: {  	[smem:$0x3FB5] =	sst s9;
	s0 =	simm.s32 @!p0 $0x0  }
0x12: {  	s1 =	sld [smem:$0x3F9B];
	s0 =	simm.s32 @p0 $0x1  }
0x13: {  	[smem:$0x3FB6] =	sst s0;
	s0 =	simm.s32 @!p1 $0x0  }
0x14: {  	s2 =	sld [smem:$0x3F9A];
	s0 =	simm.s32 @p1 $0x1  }
0x15: {  	[smem:$0x3FB7] =	sst s0;
	s0 =	simm.s32 @!p2 $0x0  }
0x16: {  	s3 =	sld [smem:$0x3FDB];
	s0 =	simm.s32 @p2 $0x1  }
0x17: {  	s4 =	simm.s32 $0x1BF5;
	[smem:$0x3FB9] =	sst s0  }
0x18: {  	s0 =	sld [smem:$0x3F9C];
	_ =	swait.ge [sflag:s4], $0x0  }
0x19: {  	s7 =	sld [smem:$0x3F9D]  }
0x1a: {  	s8 =	sadd.s32 $0xFFFFE003, lr  }
0x1b: {  	s9 =	sadd.s32 $0xFFFFFEF7, lr;
	s5 =	simm.s32 $0xFFFFFFFF;
	p2 =	slt.u32 s8, $0xFFFFF086  }
0x1c: {  	p1 =	slt.u32 s9, $0xF7A;
	s5 =	simm.s32 @!p2 $0x0  }
0x1d: {  	s5 =	simm.s32 @p1 $0x1;
	p0 =	seq.s32 s7, s2  }
0x1e: {  	s7 =	smul.u32 @!p0 $0xF7A, s2;
	p2 =	seq.s32 @!p0 s5, $0x0  }
0x1f: {  	s9 =	smul.u32 $0xF7A, s1;
	s8 =	simm.s32 @!p0 $0x1BF5;
	p2 =	por !p2, p0  }
0x20: {  	[sflag:s8] =	ssyncset.s32 @!p0 $0xFFFFF086;
	s6 =	sadd.s32 @!p0 s3, s7;
	s7 =	simm.s32 @!p0 $0x108  }
0x21: {  	s3 =	sadd.s32 s3, s9;
	s6 =	sadd.s32 @!p0 $0x88, s6;
	s7 =	simm.s32 @p2 $0x1082  }
0x22: {  	[simem:s7], [sflag:s8] =	dma.local @!p0 [hbm:s6], $0xF7A  }
0x23: {  	s9 =	sor.u32 $0xD0000000, s2;
	s6 =	simm.s32 $0x108;
	_ =	swait.ge @!p0 [sflag:s8], $0x0  }
0x24: {  	s3 =	sadd.s32 $0x88, s3;
	s6 =	simm.s32 @!p1 $0x1082;
	[sflag:s4] =	ssyncset.s32 $0xFFFFF086  }
0x25: {  	[simem:s6], [sflag:s4] =	dma.local [hbm:s3], $0xF7A  }
0x26: {  	[smem:$0x3F9D] =	sst s1;
	(tag) =	ssettag s2;
	_ =	strace s9  }
0x27: {  	s1 =	sld [smem:$0x3FAD]  }
0x28: {  	s2 =	sld [smem:$0x3FAE]  }
0x29: {  	s4 =	sld [smem:$0x3FB0]  }
0x2a: {  	p0 =	seq.s32 s5, $0x0;
	s5 =	sld [smem:$0x3FB1]  }
0x2b: {  	s6 =	sld [smem:$0x3FB2]  }
0x2c: {  	s7 =	sld [smem:$0x3FB3]  }
0x2d: {  	s3 =	simm.s32 $0x108;
	s8 =	sld [smem:$0x3FB4]  }
0x2e: {  	s3 =	simm.s32 @!p0 $0x1082;
	s9 =	sld [smem:$0x3FB5]  }
0x2f: {  	lr =	sadd.s32 s0, s3;
	s0 =	sld [smem:$0x3FAC]  }
0x30: {  	s3 =	sld [smem:$0x3FAF]  }
0x31: {  	[smem:$0x3FB8] =	sst s10  }
0x32: {  	s10 =	sld [smem:$0x3FB6];
	_ =	sdelay $0x3  }
0x33: {  	p0 =	seq.s32 s10, $0x1;
	s10 =	sld [smem:$0x3FB8];
	_ =	sdelay $0x3  }
0x34: {  	[smem:$0x3FB8] =	sst s10  }
0x35: {  	s10 =	sld [smem:$0x3FB7];
	_ =	sdelay $0x3  }
0x36: {  	p1 =	seq.s32 s10, $0x1;
	s10 =	sld [smem:$0x3FB8];
	_ =	sdelay $0x3  }
0x37: {  	[smem:$0x3FB8] =	sst s10  }
0x38: {  	s10 =	sld [smem:$0x3FB9]  }
0x39: {  	_ = 	snop;
	(pc) =	sbr.ind lr, $3  }
0x3a: {  	_ = 	snop  }
0x3b: {  	_ = 	snop  }
0x3c: {  	p2 =	seq.s32 s10, $0x1;
	s10 =	sld [smem:$0x3FB8]  }
0x3d: {  	_ =	shalt  }
0x3e: {  	_ =	shalt  }
0x3f: {  	_ =	shalt  }
0x40: {  	_ =	shalt  }
0x41: {  	_ =	shalt  }
0x42: {  	_ =	shalt  }
0x43: {  	_ =	shalt  }
0x44: {  	_ =	shalt  }
0x45: {  	_ =	shalt  }
0x46: {  	_ =	shalt  }
0x47: {  	_ =	shalt  }
0x48: {  	_ =	shalt  }
0x49: {  	_ =	shalt  }
0x4a: {  	_ =	shalt  }
0x4b: {  	_ =	shalt  }
0x4c: {  	_ =	shalt  }
0x4d: {  	_ =	shalt  }
0x4e: {  	_ =	shalt  }
0x4f: {  	_ =	shalt  }
0x50: {  	_ =	shalt  }
0x51: {  	_ =	shalt  }
0x52: {  	_ =	shalt  }
0x53: {  	_ =	shalt  }
0x54: {  	_ =	shalt  }
0x55: {  	_ =	shalt  }
0x56: {  	_ =	shalt  }
0x57: {  	_ =	shalt  }
0x58: {  	_ =	shalt  }
0x59: {  	_ =	shalt  }
0x5a: {  	_ =	shalt  }
0x5b: {  	_ =	shalt  }
0x5c: {  	_ =	shalt  }
0x5d: {  	_ =	shalt  }
0x5e: {  	_ =	shalt  }
0x5f: {  	_ =	shalt  }
0x60: {  	_ =	shalt  }
0x61: {  	_ =	shalt  }
0x62: {  	_ =	shalt  }
0x63: {  	_ =	shalt  }
0x64: {  	_ =	shalt  }
0x65: {  	_ =	shalt  }
0x66: {  	_ =	shalt  }
0x67: {  	_ =	shalt  }
0x68: {  	_ =	shalt  }
0x69: {  	_ =	shalt  }
0x6a: {  	_ =	shalt  }
0x6b: {  	_ =	shalt  }
0x6c: {  	_ =	shalt  }
0x6d: {  	_ =	shalt  }
0x6e: {  	_ =	shalt  }
0x6f: {  	_ =	shalt  }
0x70: {  	_ =	shalt  }
0x71: {  	_ =	shalt  }
0x72: {  	_ =	shalt  }
0x73: {  	_ =	shalt  }
0x74: {  	_ =	shalt  }
0x75: {  	_ =	shalt  }
0x76: {  	_ =	shalt  }
0x77: {  	_ =	shalt  }
0x78: {  	_ =	shalt  }
0x79: {  	_ =	shalt  }
0x7a: {  	_ =	shalt  }
0x7b: {  	_ =	shalt  }
0x7c: {  	_ =	shalt  }
0x7d: {  	_ =	shalt  }
0x7e: {  	_ =	shalt  }
0x7f: {  	_ =	shalt  }
0x80: {  	_ =	shalt  }
0x81: {  	_ =	shalt  }
0x82: {  	_ =	shalt  }
0x83: {  	_ =	shalt  }
0x84: {  	_ =	shalt  }
0x85: {  	_ =	shalt  }
0x86: {  	_ =	shalt  }
0x87: {  	_ =	shalt  }
.Lfunc_end0:
.L_simem_size_0:
called_computation_lowered:
.L_overlay_start_0:
0x88: {  	s2 =	sld [smem:$0x3FD9]  }
0x89: {  	s3 =	sld [smem:$0x3FFE];
	_ =	sdelay $0x1  }
0x8a: {  	s1 =	srdreg.scid  }
0x8b: {  	s0 =	sand.u32 $0x1, s1  }
0x8c: {  	s17 =	sshll.u32 s0, $0xA;
	s2 =	sadd.s32 s3, s2  }
0x8d: {  	s2 =	sadd.s32 s2, s17  }
0x8e: {  	[smem:$0x3FC4] =	sst s2  }
0x8f: {  	_ = 	snop  }
0x90: {  	s2 =	sld [smem:$0x3FC9]  }
0x91: {  	s18 =	sld [smem:$0x3FD0];
	(tm) =	ssettm $0x1  }
0x92: {  	s4 =	sld [smem:$0x3FFB];
	_ =	sdelay $0x3  }
0x93: {  	_ =	strace s4  }
0x94: {  	s4 =	sld [smem:$0x3FFC];
	_ =	sdelay $0x3  }
0x95: {  	_ =	strace s4  }
0x96: {  	s4 =	sld [smem:$0x3FFD];
	_ =	sdelay $0x3  }
0x97: {  	_ =	strace s4  }
0x98: {  	_ =	strace $0x8FFFFFFF  }
0x99: {  	s19 =	sld [smem:$0x3FDB];
	_ =	sdelay $0x1  }
0x9a: {  	s5 =	simm.s32 $_scs_section_size  }
0x9b: {  	s6 =	simm.s32 $_size__tile_overlayer_lowered;
	s7 =	simm.s32 $_tile_overlayer_lowered  }
0x9c: {  	s22 =	simm.s32 $0x1BFF;
	s21 =	sshll.u32 s7, $0x1;
	s4 =	sadd.s32 s5, s19  }
0x9d: {  	s8 =	simm.s32 $0x0;
	s20 =	sshll.u32 s6, $0x1;
	s6 =	sadd.s32 s21, s4  }
0x9e: {  	[timem:s8], [sflag:s22] =	dma.local [hbm:s6], s20  }
0x9f: {  	_ =	swait.ge [sflag:s22], s20  }
0xa0: {  	s5 =	ssub.s32 $0x0, s20;
	[sflag:s22] =	ssyncset.done $0x0  }
0xa1: {  	[sflag:s22] =	ssyncadd.s32 s5;
	_ =	sdelay $0x1  }
0xa2: {  	s23 =	simm.s32 $0x1B8B  }
0xa3: {  	_ =	swait.ge [sflag:s23], $0x1  }
0xa4: {  	[sflag:s23] =	ssyncset.done $0x0  }
0xa5: {  	s25 =	simm.s32 $0x1B8E;
	s24 =	sld [smem:$0x3FFE];
	[sflag:s23] =	ssyncadd.s32 $0xFFFFFFFF  }
0xa6: {  	s26 =	simm.s32 $execute0_lowered;
	[smem:$0x3FD2] =	sst s25  }
0xa7: {  	s6 =	sshll.u32 s26, $0x1;
	_ =	strace $0x80000046;
	[dreg:$0x1] =	wrdreg $0xFFFFFFFF  }
0xa8: {  	s28 =	simm.s32 $_size_execute0_lowered;
	s4 =	sadd.s32 s4, s6;
	[dreg:$0x0] =	wrdreg $0x0  }
0xa9: {  	s6 =	sshll.u32 s28, $0x1;
	[dreg:$0x2] =	wrdreg s4  }
0xaa: {  	[dreg:$0x3] =	wrdreg s6  }
0xab: {  	[dreg:$0x4] =	wrdreg $0xC0  }
0xac: {  	_ =	task [dreg:s8], $0x5FFFF  }
0xad: {  	[dreg:$0x1] =	wrdreg $0xFFFFFFFF  }
0xae: {  	[dreg:$0x0] =	wrdreg $0x60  }
0xaf: {  	[dreg:$0x2] =	wrdreg s2  }
0xb0: {  	[dreg:$0x3] =	wrdreg s24  }
0xb1: {  	[dreg:$0x4] =	wrdreg s18  }
0xb2: {  	[dreg:$0x5] =	wrdreg $0x9  }
0xb3: {  	_ =	task.clear_ibuf [dreg:s8], $0x6FFFF;
	_ =	strace $0x90000046  }
0xb4: {  	s29 =	simm.s32 $0x9;
	_ =	strace $0x80000048  }
0xb5: {  	_ =	swait.ge [sflag:s29], $0x1  }
0xb6: {  	[sflag:s29] =	ssyncadd.s32 $0xFFFFFFFF  }
0xb7: {  	_ =	strace $0x90000048  }
0xb8: {  	_ =	sfence  }
0xb9: {  	s30 =	sld [smem:$0x0];
	_ =	sdelay $0x2  }
0xba: {  	s31 =	sshll.u32 s1, $0xD;
	s1 =	sshrl.u32 s1, $0x2  }
0xbb: {  	s3 =	sand.u32 $0x4000, s31;
	s1 =	sadd.s32 s1, s30  }
0xbc: {  	s0 =	sor.u32 s3, s0;
	s1 =	sshll.u32 s1, $0x11  }
0xbd: {  	s0 =	sor.u32 s1, s0  }
0xbe: {  	s0 =	sadd.s32 $0x8F2B, s0  }
0xbf: {  	[sflag:s0] =	ssyncadd.remote.s32 $0x1  }
0xc0: {  	_ =	sfence.sel $0xFFFF  }
0xc1: {  	[dreg:$0x0] =	wrdreg $0xFFFFFFFF;
	(pc) =	sbr.abs _section_cstart, $3  }
0xc2: {  	[dreg:$0x1] =	wrdreg $0xFFFFFFFF  }
0xc3: {  	_ =	task.clear_ibuf [dreg:s8], $0x2FFFF;
	_ =	strace $0x9FFFFFFF  }
0xc4: {  	(tm) =	ssettm $0x7FFFFFFF  }
0xc5: {  	_ =	shalt  }
tec
execute0_lowered:
.L_overlay_start_1:
0x0: {  	(tag) =	ssettag $0x1  }
0x1: {  	s0 =	rddreg [dreg:$0x0]  }
0x2: {  	s1 =	rddreg [dreg:$0x1]  }
0x3: {  	s2 =	rddreg [dreg:$0x2]  }
0x4: {  	s3 =	srdreg.scid;
	s5 =	stileid.u32  }
0x5: {  	s25 =	simm.s32 $0x10000;
	s26 =	simm.s32 $0x10080;
	s9 =	simm.s32 $0x3  }
0x6: {  	s21 =	simm.s32 $0x1800;
	s22 =	simm.s32 $0x2000;
	s28 =	simm.s32 $0x4800  }
0x7: {  	s29 =	simm.s32 $0x5000;
	s30 =	simm.s32 $0x5800;
	s31 =	simm.s32 $0x6000  }
0x8: {  	s10 =	simm.s32 $0x8000;
	s11 =	simm.s32 $0x8800;
	s12 =	simm.s32 $0x9000  }
0x9: {  	s13 =	simm.s32 $0x9800;
	s14 =	simm.s32 $0xA000;
	s15 =	simm.s32 $0xA800  }
0xa: {  	s16 =	simm.s32 $0xB000;
	s17 =	simm.s32 $0xB800;
	s18 =	simm.s32 $0xC000  }
0xb: {  	s4 =	sand.u32 $0x1, s3;
	s3 =	simm.s32 $0x0;
	s5 =	sshll.u32 s5, $0x7  }
0xc: {  	s7 =	sadd.s32 $0x300, s2;
	s6 =	sshll.u32 s4, $0x6;
	[smem:$0x7FF] =	sst s3  }
0xd: {  	s4 =	ssub.s32 $0x2, s4;
	_ =	strace $0x80000047;
	[dreg:$0x6] =	wrdreg s25  }
0xe: {  	s5 =	sor.u32 s6, s5;
	s23 =	sshrl.u32 s4, $0x1;
	[dreg:$0x7] =	wrdreg s26  }
0xf: {  	s25 =	simm.s32 $0x3800;
	s6 =	sshll.u32 s5, $0x7;
	s5 =	sshrl.u32 s5, $0x3  }
0x10: {  	s26 =	simm.s32 $0x4000;
	s0 =	sadd.s32 s0, s6;
	s5 =	sadd.s32 s1, s5  }
0x11: {  	s1 =	ssub.s32 s4, s23;
	s6 =	sadd.s32 $0x200, s2;
	[dreg:$0x4] =	wrdreg s0  }
0x12: {  	v2 =	vlaneseq.u32;
	s23 =	simm.s32 $0x2800;
	s4 =	simm.s32 $0x7800;
	[dreg:$0x8] =	wrdreg s5  }
0x13: {  	vm0 =	vmmov $0xffff;
	v1 =	vshrl.u32 v2, $0x3;
	s24 =	sadd.s32 $0x200, s5;
	s5 =	sadd.s32 $0x100, s2;
	s8 =	smax.u32 s1, $0x1  }
0x14: {  	v0 =	vand.u32 $0x7, v2;
	v2 =	vor.u32 $0x8, v2;
	v1 =	vmul.u32 $0x8, v1;
	s1 =	simm.s32 $0x7000;
	[dreg:$0x5] =	wrdreg s24;
	s24 =	simm.s32 $0x3000  }
.LBB2_1:
0x15: {  	s19 =	rddreg [dreg:$0x4]  }
0x16: {  	[tilespmem:s3], [sflag:$0x3] =	stream.linear.gather [hbm4b:s19+s3], $0x10000, $0x38;
	[tilespmem:$0x10100] =	vst v63  }
0x17: {  	_ =	swait.ge [sflag:s9], $0x10000  }
0x18: {  	s0 =	rddreg [dreg:$0x5];
	[sflag:s9] =	ssyncset.done $0x0  }
0x19: {  	s20 =	rddreg [dreg:$0x6];
	[sflag:s9] =	ssyncadd.s32 $0xFFFF0000  }
0x1a: {  	[tilespmem:s20], [sflag:$0x3] =	stream.linear.gather [hbm4b:s0+s3], $0x40, $0x38;
	[tilespmem:$0x10100] =	vst v63  }
0x1b: {  	_ =	swait.ge [sflag:s9], $0x40  }
0x1c: {  	s20 =	rddreg [dreg:$0x7];
	[sflag:s9] =	ssyncset.done $0x0  }
0x1d: {  	s0 =	rddreg [dreg:$0x8];
	[sflag:s9] =	ssyncadd.s32 $0xFFFFFFC0  }
0x1e: {  	[tilespmem:s20], [sflag:$0x3] =	stream.linear.gather [hbm4b:s0+s3], $0x40, $0x38;
	[tilespmem:$0x10100] =	vst v63  }
0x1f: {  	_ =	swait.ge [sflag:s9], $0x40  }
0x20: {  	[sflag:s9] =	ssyncset.done $0x0  }
0x21: {  	[sflag:s9] =	ssyncadd.s32 $0xFFFFFFC0  }
0x22: {  	v3 =	vld [tilespmem:$0x10000];
	_ =	sdelay $0x4  }
0x23: {  	v4 =	vshll.u32 v3, $0x3  }
0x24: {  	v3 =	vand.u32 $0x7, v3;
	v4 =	vand.u32 $0xFFFFFFC0, v4  }
0x25: {  	v3 =	vor.u32 v3, v4  }
0x26: {  	v4 =	vperm.xlane v3, v0;
	_ =	sdelay $0x1  }
0x27: {  	v4 =	vadd.s32 v1, v4;
	_ =	sdelay $0x4  }
0x28: {  	[hbm4b:s2+s3] =	stream.indirect_vreg.scatter [tilespmem:s3], [sflag:$0x1], $0x80, v4, vm0, $0xb8;
	[tilespmem:$0x10100] =	vst v63  }
0x29: {  	s19 =	simm.s32 $0x800;
	v3 =	vperm.xlane v3, v2  }
0x2a: {  	[hbm4b:s5+s3] =	stream.indirect_vreg.scatter [tilespmem:s19], [sflag:$0x1], $0x80, v4, vm0, $0xb8;
	[tilespmem:$0x10100] =	vst v63  }
0x2b: {  	s20 =	simm.s32 $0x1000;
	v3 =	vadd.s32 v1, v3  }
0x2c: {  	[hbm4b:s6+s3] =	stream.indirect_vreg.scatter [tilespmem:s20], [sflag:$0x1], $0x80, v4, vm0, $0xb8;
	[tilespmem:$0x10100] =	vst v63  }
0x2d: {  	_ = 	snop  }
0x2e: {  	[hbm4b:s7+s3] =	stream.indirect_vreg.scatter [tilespmem:s21], [sflag:$0x1], $0x80, v4, vm0, $0xb8;
	[tilespmem:$0x10100] =	vst v63  }
0x2f: {  	_ = 	snop  }
0x30: {  	[hbm4b:s2+s3] =	stream.indirect_vreg.scatter [tilespmem:s22], [sflag:$0x1], $0x80, v3, vm0, $0xb8;
	[tilespmem:$0x10100] =	vst v63  }
0x31: {  	_ = 	snop  }
0x32: {  	[hbm4b:s5+s3] =	stream.indirect_vreg.scatter [tilespmem:s23], [sflag:$0x1], $0x80, v3, vm0, $0xb8;
	[tilespmem:$0x10100] =	vst v63  }
0x33: {  	_ = 	snop  }
0x34: {  	[hbm4b:s6+s3] =	stream.indirect_vreg.scatter [tilespmem:s24], [sflag:$0x1], $0x80, v3, vm0, $0xb8;
	[tilespmem:$0x10100] =	vst v63  }
0x35: {  	_ = 	snop  }
0x36: {  	[hbm4b:s7+s3] =	stream.indirect_vreg.scatter [tilespmem:s25], [sflag:$0x1], $0x80, v3, vm0, $0xb8;
	[tilespmem:$0x10100] =	vst v63  }
0x37: {  	v3 =	vld [tilespmem:$0x10010];
	_ =	sdelay $0x4  }
0x38: {  	v57 =	vshll.u32 v3, $0x3  }
0x39: {  	v3 =	vand.u32 $0x7, v3;
	v4 =	vand.u32 $0xFFFFFFC0, v57  }
0x3a: {  	v3 =	vor.u32 v3, v4  }
0x3b: {  	v4 =	vperm.xlane v3, v0;
	_ =	sdelay $0x1  }
0x3c: {  	v4 =	vadd.s32 v1, v4;
	_ =	sdelay $0x4  }
0x3d: {  	[hbm4b:s2+s3] =	stream.indirect_vreg.scatter [tilespmem:s26], [sflag:$0x1], $0x80, v4, vm0, $0xb8;
	[tilespmem:$0x10100] =	vst v63  }
0x3e: {  	v3 =	vperm.xlane v3, v2  }
0x3f: {  	[hbm4b:s5+s3] =	stream.indirect_vreg.scatter [tilespmem:s28], [sflag:$0x1], $0x80, v4, vm0, $0xb8;
	[tilespmem:$0x10100] =	vst v63  }
0x40: {  	v3 =	vadd.s32 v1, v3  }
0x41: {  	[hbm4b:s6+s3] =	stream.indirect_vreg.scatter [tilespmem:s29], [sflag:$0x1], $0x80, v4, vm0, $0xb8;
	[tilespmem:$0x10100] =	vst v63  }
0x42: {  	_ = 	snop  }
0x43: {  	[hbm4b:s7+s3] =	stream.indirect_vreg.scatter [tilespmem:s30], [sflag:$0x1], $0x80, v4, vm0, $0xb8;
	[tilespmem:$0x10100] =	vst v63  }
0x44: {  	_ = 	snop  }
0x45: {  	[hbm4b:s2+s3] =	stream.indirect_vreg.scatter [tilespmem:s31], [sflag:$0x1], $0x80, v3, vm0, $0xb8;
	[tilespmem:$0x10100] =	vst v63  }
0x46: {  	s0 =	simm.s32 $0x6800  }
0x47: {  	[hbm4b:s5+s3] =	stream.indirect_vreg.scatter [tilespmem:s0], [sflag:$0x1], $0x80, v3, vm0, $0xb8;
	[tilespmem:$0x10100] =	vst v63  }
0x48: {  	_ = 	snop  }
0x49: {  	[hbm4b:s6+s3] =	stream.indirect_vreg.scatter [tilespmem:s1], [sflag:$0x1], $0x80, v3, vm0, $0xb8;
	[tilespmem:$0x10100] =	vst v63  }
0x4a: {  	_ = 	snop  }
0x4b: {  	[hbm4b:s7+s3] =	stream.indirect_vreg.scatter [tilespmem:s4], [sflag:$0x1], $0x80, v3, vm0, $0xb8;
	[tilespmem:$0x10100] =	vst v63  }
0x4c: {  	v3 =	vld [tilespmem:$0x10020];
	_ =	sdelay $0x4  }
0x4d: {  	v58 =	vshll.u32 v3, $0x3  }
0x4e: {  	v3 =	vand.u32 $0x7, v3;
	v4 =	vand.u32 $0xFFFFFFC0, v58  }
0x4f: {  	v3 =	vor.u32 v3, v4  }
0x50: {  	v4 =	vperm.xlane v3, v0;
	_ =	sdelay $0x1  }
0x51: {  	v4 =	vadd.s32 v1, v4;
	_ =	sdelay $0x4  }
0x52: {  	[hbm4b:s2+s3] =	stream.indirect_vreg.scatter [tilespmem:s10], [sflag:$0x1], $0x80, v4, vm0, $0xb8;
	[tilespmem:$0x10100] =	vst v63  }
0x53: {  	v3 =	vperm.xlane v3, v2  }
0x54: {  	[hbm4b:s5+s3] =	stream.indirect_vreg.scatter [tilespmem:s11], [sflag:$0x1], $0x80, v4, vm0, $0xb8;
	[tilespmem:$0x10100] =	vst v63  }
0x55: {  	v3 =	vadd.s32 v1, v3  }
0x56: {  	[hbm4b:s6+s3] =	stream.indirect_vreg.scatter [tilespmem:s12], [sflag:$0x1], $0x80, v4, vm0, $0xb8;
	[tilespmem:$0x10100] =	vst v63  }
0x57: {  	_ = 	snop  }
0x58: {  	[hbm4b:s7+s3] =	stream.indirect_vreg.scatter [tilespmem:s13], [sflag:$0x1], $0x80, v4, vm0, $0xb8;
	[tilespmem:$0x10100] =	vst v63  }
0x59: {  	_ = 	snop  }
0x5a: {  	[hbm4b:s2+s3] =	stream.indirect_vreg.scatter [tilespmem:s14], [sflag:$0x1], $0x80, v3, vm0, $0xb8;
	[tilespmem:$0x10100] =	vst v63  }
0x5b: {  	_ = 	snop  }
0x5c: {  	[hbm4b:s5+s3] =	stream.indirect_vreg.scatter [tilespmem:s15], [sflag:$0x1], $0x80, v3, vm0, $0xb8;
	[tilespmem:$0x10100] =	vst v63  }
0x5d: {  	_ = 	snop  }
0x5e: {  	[hbm4b:s6+s3] =	stream.indirect_vreg.scatter [tilespmem:s16], [sflag:$0x1], $0x80, v3, vm0, $0xb8;
	[tilespmem:$0x10100] =	vst v63  }
0x5f: {  	_ = 	snop  }
0x60: {  	[hbm4b:s7+s3] =	stream.indirect_vreg.scatter [tilespmem:s17], [sflag:$0x1], $0x80, v3, vm0, $0xb8;
	[tilespmem:$0x10100] =	vst v63  }
0x61: {  	v3 =	vld [tilespmem:$0x10030];
	_ =	sdelay $0x4  }
0x62: {  	v59 =	vshll.u32 v3, $0x3  }
0x63: {  	v3 =	vand.u32 $0x7, v3;
	v4 =	vand.u32 $0xFFFFFFC0, v59  }
0x64: {  	v3 =	vor.u32 v3, v4  }
0x65: {  	v4 =	vperm.xlane v3, v0;
	_ =	sdelay $0x1  }
0x66: {  	v4 =	vadd.s32 v1, v4;
	_ =	sdelay $0x4  }
0x67: {  	[hbm4b:s2+s3] =	stream.indirect_vreg.scatter [tilespmem:s18], [sflag:$0x1], $0x80, v4, vm0, $0xb8;
	[tilespmem:$0x10100] =	vst v63  }
0x68: {  	s0 =	simm.s32 $0xC800;
	v3 =	vperm.xlane v3, v2  }
0x69: {  	[hbm4b:s5+s3] =	stream.indirect_vreg.scatter [tilespmem:s0], [sflag:$0x1], $0x80, v4, vm0, $0xb8;
	[tilespmem:$0x10100] =	vst v63  }
0x6a: {  	v3 =	vadd.s32 v1, v3;
	s0 =	simm.s32 $0xD000  }
0x6b: {  	[hbm4b:s6+s3] =	stream.indirect_vreg.scatter [tilespmem:s0], [sflag:$0x1], $0x80, v4, vm0, $0xb8;
	[tilespmem:$0x10100] =	vst v63  }
0x6c: {  	s0 =	simm.s32 $0xD800  }
0x6d: {  	[hbm4b:s7+s3] =	stream.indirect_vreg.scatter [tilespmem:s0], [sflag:$0x1], $0x80, v4, vm0, $0xb8;
	[tilespmem:$0x10100] =	vst v63  }
0x6e: {  	s0 =	simm.s32 $0xE000  }
0x6f: {  	[hbm4b:s2+s3] =	stream.indirect_vreg.scatter [tilespmem:s0], [sflag:$0x1], $0x80, v3, vm0, $0xb8;
	[tilespmem:$0x10100] =	vst v63  }
0x70: {  	s0 =	simm.s32 $0xE800  }
0x71: {  	[hbm4b:s5+s3] =	stream.indirect_vreg.scatter [tilespmem:s0], [sflag:$0x1], $0x80, v3, vm0, $0xb8;
	[tilespmem:$0x10100] =	vst v63  }
0x72: {  	s0 =	simm.s32 $0xF000  }
0x73: {  	[hbm4b:s6+s3] =	stream.indirect_vreg.scatter [tilespmem:s0], [sflag:$0x1], $0x80, v3, vm0, $0xb8;
	[tilespmem:$0x10100] =	vst v63  }
0x74: {  	s0 =	simm.s32 $0xF800  }
0x75: {  	[hbm4b:s7+s3] =	stream.indirect_vreg.scatter [tilespmem:s0], [sflag:$0x1], $0x80, v3, vm0, $0xb8;
	[tilespmem:$0x10100] =	vst v63  }
0x76: {  	v3 =	vld [tilespmem:$0x10080];
	_ =	sdelay $0x4  }
0x77: {  	v60 =	vshll.u32 v3, $0x3  }
0x78: {  	v3 =	vand.u32 $0x7, v3;
	v4 =	vand.u32 $0xFFFFFFC0, v60  }
0x79: {  	v3 =	vor.u32 v3, v4  }
0x7a: {  	v4 =	vperm.xlane v3, v0;
	_ =	sdelay $0x1  }
0x7b: {  	v4 =	vadd.s32 v1, v4;
	_ =	sdelay $0x4  }
0x7c: {  	[hbm4b:s2+s3] =	stream.indirect_vreg.scatter [tilespmem:s3], [sflag:$0x2], $0x80, v4, vm0, $0xb8;
	[tilespmem:$0x10100] =	vst v63  }
0x7d: {  	v3 =	vperm.xlane v3, v2  }
0x7e: {  	[hbm4b:s5+s3] =	stream.indirect_vreg.scatter [tilespmem:s19], [sflag:$0x2], $0x80, v4, vm0, $0xb8;
	[tilespmem:$0x10100] =	vst v63  }
0x7f: {  	v3 =	vadd.s32 v1, v3  }
0x80: {  	[hbm4b:s6+s3] =	stream.indirect_vreg.scatter [tilespmem:s20], [sflag:$0x2], $0x80, v4, vm0, $0xb8;
	[tilespmem:$0x10100] =	vst v63  }
0x81: {  	_ = 	snop  }
0x82: {  	[hbm4b:s7+s3] =	stream.indirect_vreg.scatter [tilespmem:s21], [sflag:$0x2], $0x80, v4, vm0, $0xb8;
	[tilespmem:$0x10100] =	vst v63  }
0x83: {  	_ = 	snop  }
0x84: {  	[hbm4b:s2+s3] =	stream.indirect_vreg.scatter [tilespmem:s22], [sflag:$0x2], $0x80, v3, vm0, $0xb8;
	[tilespmem:$0x10100] =	vst v63  }
0x85: {  	_ = 	snop  }
0x86: {  	[hbm4b:s5+s3] =	stream.indirect_vreg.scatter [tilespmem:s23], [sflag:$0x2], $0x80, v3, vm0, $0xb8;
	[tilespmem:$0x10100] =	vst v63  }
0x87: {  	_ = 	snop  }
0x88: {  	[hbm4b:s6+s3] =	stream.indirect_vreg.scatter [tilespmem:s24], [sflag:$0x2], $0x80, v3, vm0, $0xb8;
	[tilespmem:$0x10100] =	vst v63  }
0x89: {  	_ = 	snop  }
0x8a: {  	[hbm4b:s7+s3] =	stream.indirect_vreg.scatter [tilespmem:s25], [sflag:$0x2], $0x80, v3, vm0, $0xb8;
	[tilespmem:$0x10100] =	vst v63  }
0x8b: {  	v3 =	vld [tilespmem:$0x10090];
	_ =	sdelay $0x4  }
0x8c: {  	v61 =	vshll.u32 v3, $0x3  }
0x8d: {  	v3 =	vand.u32 $0x7, v3;
	v4 =	vand.u32 $0xFFFFFFC0, v61  }
0x8e: {  	v3 =	vor.u32 v3, v4  }
0x8f: {  	v4 =	vperm.xlane v3, v0;
	_ =	sdelay $0x1  }
0x90: {  	v4 =	vadd.s32 v1, v4;
	_ =	sdelay $0x4  }
0x91: {  	[hbm4b:s2+s3] =	stream.indirect_vreg.scatter [tilespmem:s26], [sflag:$0x2], $0x80, v4, vm0, $0xb8;
	[tilespmem:$0x10100] =	vst v63  }
0x92: {  	v3 =	vperm.xlane v3, v2  }
0x93: {  	[hbm4b:s5+s3] =	stream.indirect_vreg.scatter [tilespmem:s28], [sflag:$0x2], $0x80, v4, vm0, $0xb8;
	[tilespmem:$0x10100] =	vst v63  }
0x94: {  	v3 =	vadd.s32 v1, v3  }
0x95: {  	[hbm4b:s6+s3] =	stream.indirect_vreg.scatter [tilespmem:s29], [sflag:$0x2], $0x80, v4, vm0, $0xb8;
	[tilespmem:$0x10100] =	vst v63  }
0x96: {  	_ = 	snop  }
0x97: {  	[hbm4b:s7+s3] =	stream.indirect_vreg.scatter [tilespmem:s30], [sflag:$0x2], $0x80, v4, vm0, $0xb8;
	[tilespmem:$0x10100] =	vst v63  }
0x98: {  	_ = 	snop  }
0x99: {  	[hbm4b:s2+s3] =	stream.indirect_vreg.scatter [tilespmem:s31], [sflag:$0x2], $0x80, v3, vm0, $0xb8;
	[tilespmem:$0x10100] =	vst v63  }
0x9a: {  	s19 =	simm.s32 $0x6800  }
0x9b: {  	[hbm4b:s5+s3] =	stream.indirect_vreg.scatter [tilespmem:s19], [sflag:$0x2], $0x80, v3, vm0, $0xb8;
	[tilespmem:$0x10100] =	vst v63  }
0x9c: {  	_ = 	snop  }
0x9d: {  	[hbm4b:s6+s3] =	stream.indirect_vreg.scatter [tilespmem:s1], [sflag:$0x2], $0x80, v3, vm0, $0xb8;
	[tilespmem:$0x10100] =	vst v63  }
0x9e: {  	_ = 	snop  }
0x9f: {  	[hbm4b:s7+s3] =	stream.indirect_vreg.scatter [tilespmem:s4], [sflag:$0x2], $0x80, v3, vm0, $0xb8;
	[tilespmem:$0x10100] =	vst v63  }
0xa0: {  	v3 =	vld [tilespmem:$0x100A0];
	_ =	sdelay $0x4  }
0xa1: {  	v62 =	vshll.u32 v3, $0x3  }
0xa2: {  	v3 =	vand.u32 $0x7, v3;
	v4 =	vand.u32 $0xFFFFFFC0, v62  }
0xa3: {  	v3 =	vor.u32 v3, v4  }
0xa4: {  	v4 =	vperm.xlane v3, v0;
	_ =	sdelay $0x1  }
0xa5: {  	v4 =	vadd.s32 v1, v4;
	_ =	sdelay $0x4  }
0xa6: {  	[hbm4b:s2+s3] =	stream.indirect_vreg.scatter [tilespmem:s10], [sflag:$0x2], $0x80, v4, vm0, $0xb8;
	[tilespmem:$0x10100] =	vst v63  }
0xa7: {  	v3 =	vperm.xlane v3, v2  }
0xa8: {  	[hbm4b:s5+s3] =	stream.indirect_vreg.scatter [tilespmem:s11], [sflag:$0x2], $0x80, v4, vm0, $0xb8;
	[tilespmem:$0x10100] =	vst v63  }
0xa9: {  	v3 =	vadd.s32 v1, v3  }
0xaa: {  	[hbm4b:s6+s3] =	stream.indirect_vreg.scatter [tilespmem:s12], [sflag:$0x2], $0x80, v4, vm0, $0xb8;
	[tilespmem:$0x10100] =	vst v63  }
0xab: {  	_ = 	snop  }
0xac: {  	[hbm4b:s7+s3] =	stream.indirect_vreg.scatter [tilespmem:s13], [sflag:$0x2], $0x80, v4, vm0, $0xb8;
	[tilespmem:$0x10100] =	vst v63  }
0xad: {  	_ = 	snop  }
0xae: {  	[hbm4b:s2+s3] =	stream.indirect_vreg.scatter [tilespmem:s14], [sflag:$0x2], $0x80, v3, vm0, $0xb8;
	[tilespmem:$0x10100] =	vst v63  }
0xaf: {  	_ = 	snop  }
0xb0: {  	[hbm4b:s5+s3] =	stream.indirect_vreg.scatter [tilespmem:s15], [sflag:$0x2], $0x80, v3, vm0, $0xb8;
	[tilespmem:$0x10100] =	vst v63  }
0xb1: {  	_ = 	snop  }
0xb2: {  	[hbm4b:s6+s3] =	stream.indirect_vreg.scatter [tilespmem:s16], [sflag:$0x2], $0x80, v3, vm0, $0xb8;
	[tilespmem:$0x10100] =	vst v63  }
0xb3: {  	_ = 	snop  }
0xb4: {  	[hbm4b:s7+s3] =	stream.indirect_vreg.scatter [tilespmem:s17], [sflag:$0x2], $0x80, v3, vm0, $0xb8;
	[tilespmem:$0x10100] =	vst v63  }
0xb5: {  	v3 =	vld [tilespmem:$0x100B0];
	_ =	sdelay $0x4  }
0xb6: {  	v63 =	vshll.u32 v3, $0x3  }
0xb7: {  	v3 =	vand.u32 $0x7, v3;
	v4 =	vand.u32 $0xFFFFFFC0, v63  }
0xb8: {  	v3 =	vor.u32 v3, v4  }
0xb9: {  	v4 =	vperm.xlane v3, v0;
	_ =	sdelay $0x1  }
0xba: {  	v4 =	vadd.s32 v1, v4;
	_ =	sdelay $0x4  }
0xbb: {  	[hbm4b:s2+s3] =	stream.indirect_vreg.scatter [tilespmem:s18], [sflag:$0x2], $0x80, v4, vm0, $0xb8;
	[tilespmem:$0x10100] =	vst v63  }
0xbc: {  	s20 =	simm.s32 $0xC800;
	v3 =	vperm.xlane v3, v2  }
0xbd: {  	[hbm4b:s5+s3] =	stream.indirect_vreg.scatter [tilespmem:s20], [sflag:$0x2], $0x80, v4, vm0, $0xb8;
	[tilespmem:$0x10100] =	vst v63  }
0xbe: {  	s19 =	simm.s32 $0xD000;
	v3 =	vadd.s32 v1, v3  }
0xbf: {  	[hbm4b:s6+s3] =	stream.indirect_vreg.scatter [tilespmem:s19], [sflag:$0x2], $0x80, v4, vm0, $0xb8;
	[tilespmem:$0x10100] =	vst v63  }
0xc0: {  	s20 =	simm.s32 $0xD800  }
0xc1: {  	[hbm4b:s7+s3] =	stream.indirect_vreg.scatter [tilespmem:s20], [sflag:$0x2], $0x80, v4, vm0, $0xb8;
	[tilespmem:$0x10100] =	vst v63  }
0xc2: {  	s19 =	simm.s32 $0xE000  }
0xc3: {  	[hbm4b:s2+s3] =	stream.indirect_vreg.scatter [tilespmem:s19], [sflag:$0x2], $0x80, v3, vm0, $0xb8;
	[tilespmem:$0x10100] =	vst v63  }
0xc4: {  	s20 =	simm.s32 $0xE800  }
0xc5: {  	[hbm4b:s5+s3] =	stream.indirect_vreg.scatter [tilespmem:s20], [sflag:$0x2], $0x80, v3, vm0, $0xb8;
	[tilespmem:$0x10100] =	vst v63  }
0xc6: {  	s19 =	simm.s32 $0xF000  }
0xc7: {  	[hbm4b:s6+s3] =	stream.indirect_vreg.scatter [tilespmem:s19], [sflag:$0x2], $0x80, v3, vm0, $0xb8;
	[tilespmem:$0x10100] =	vst v63  }
0xc8: {  	s20 =	simm.s32 $0xF800;
	s19 =	simm.s32 $0x1  }
0xc9: {  	[hbm4b:s7+s3] =	stream.indirect_vreg.scatter [tilespmem:s20], [sflag:$0x2], $0x80, v3, vm0, $0xb8;
	[tilespmem:$0x10100] =	vst v63  }
0xca: {  	p0 =	sne.s32 s8, $0x1;
	_ =	swait.ge [sflag:s19], $0x10000  }
.Ltmp0:
0xcb: {  	[sflag:s19] =	ssyncset.done $0x0;
	(pc) =	sbr.rel @p0 .LBB2_1-.Ltmp0, $4  }
0xcc: {  	s20 =	simm.s32 $0x2;
	[sflag:s19] =	ssyncadd.s32 $0xFFFF0000  }
0xcd: {  	_ =	swait.ge [sflag:s20], $0x10000  }
0xce: {  	[sflag:s20] =	ssyncset.done $0x0  }
0xcf: {  	s8 =	sadd.s32 $0xFFFFFFFF, s8;
	[sflag:s20] =	ssyncadd.s32 $0xFFFF0000  }
0xd0: {  	_ =	sfence.sel $0x180000  }
0xd1: {  	[bflag:$0x0] =	sbarrier.arrive $0xFFFF  }
0xd2: {  	_ =	strace $0x90000047  }
0xd3: {  	s0 =	stileid.u32;
	[bflag:$0x2] =	sbarrier.arrive $0xFFFF  }
0xd4: {  	p0 =	sne.s32 s0, $0x0;
	s0 =	rddreg [dreg:$0x3]  }
0xd5: {  	s0 =	sadd.s32 @!p0 $0x100000, s0  }
0xd6: {  	[sflag:s0] =	ssyncadd.tile.s32 @!p0 $0x1;
	_ =	shalt  }
.Lfunc_end2:
_tile_overlayer_lowered:
.L_overlay_start_2:
0xd7: {  	(tag) =	ssettag $0x2  }
0xd8: {  	s0 =	rddreg [dreg:$0x0];
	s2 =	stileid.u32  }
0xd9: {  	s1 =	rddreg [dreg:$0x1];
	p0 =	sne.s32 s2, $0x0  }
0xda: {  	s3 =	rddreg [dreg:$0x2];
	[bflag:$0x3] =	sbarrier.arrive $0xFFFF;
	s2 =	simm.s32 @!p0 $0x1C03  }
0xdb: {  	[timem:s3], [sflag:s2] =	dma.local @!p0 [hbm:s0], s1  }
0xdc: {  	s0 =	simm.s32 @!p0 $0x3  }
0xdd: {  	_ =	swait.ge @!p0 [sflag:s0], s1  }
0xde: {  	s1 =	ssub.s32 @!p0 $0x0, s1;
	[sflag:s0] =	ssyncset.done @!p0 $0x0  }
0xdf: {  	[sflag:s0] =	ssyncadd.s32 @!p0 s1  }
0xe0: {  	[bflag:$0x3] =	sbarrier.arrive $0xFFFF  }
0xe1: {  	_ =	shalt  }

</sc_bundles>
